<compile_context>
chip_gen: v7x
topology: tpu7x:2x2x1
jax: 0.10.2.dev20260603
libtpu: 0.0.44.dev20260713+nightly
codegen_flags: <defaults>
</compile_context>

<pallas_src>
import functools

import jax
import jax.numpy as jnp
from jax import lax
from jax.experimental import pallas as pl
from jax.experimental.pallas import tpu as pltpu
from jax.experimental.pallas import tpu_sc as plsc

N = 10000
E = 320000
D = 128
ED = 16
H = 64
XP = 16
G = 128
NGROUPS = E // G
NC = 2
NS = 16
NW = NC * NS
RPT = N // NS

_sc_mesh = plsc.VectorSubcoreMesh(core_axis_name="c", subcore_axis_name="s",
                                  num_cores=NC)
_sc_params = pltpu.CompilerParams(use_tc_tiling_on_sc=False)


def _pre_body(h_ref, w1r_ref, w1c_ref, w5h_ref, hr_ref, hc_ref, p5_ref):
    h = h_ref[...]
    hr_ref[...] = jnp.dot(h, w1r_ref[...], preferred_element_type=jnp.float32)
    hc_ref[...] = jnp.dot(h, w1c_ref[...], preferred_element_type=jnp.float32)
    p5_ref[...] = jnp.dot(h, w5h_ref[...], preferred_element_type=jnp.float32)


def _pre_call(h, w1r, w1c, w5h):
    BN = 2000
    grid = (N // BN,)
    return pl.pallas_call(
        _pre_body,
        grid=grid,
        in_specs=[
            pl.BlockSpec((BN, D), lambda i: (i, 0)),
            pl.BlockSpec((D, H), lambda i: (0, 0)),
            pl.BlockSpec((D, H), lambda i: (0, 0)),
            pl.BlockSpec((D, H), lambda i: (0, 0)),
        ],
        out_specs=[
            pl.BlockSpec((BN, H), lambda i: (i, 0)),
            pl.BlockSpec((BN, H), lambda i: (i, 0)),
            pl.BlockSpec((BN, H), lambda i: (i, 0)),
        ],
        out_shape=[
            jax.ShapeDtypeStruct((N, H), jnp.float32),
            jax.ShapeDtypeStruct((N, H), jnp.float32),
            jax.ShapeDtypeStruct((N, H), jnp.float32),
        ],
    )(h, w1r, w1c, w5h)


@functools.partial(
    pl.kernel,
    out_type=(jax.ShapeDtypeStruct((E, H), jnp.float32),
              jax.ShapeDtypeStruct((E, XP), jnp.float32)),
    mesh=_sc_mesh,
    scratch_types=[
        pltpu.VMEM((1, G), jnp.int32),
        pltpu.VMEM((1, G), jnp.int32),
        pltpu.VMEM((G, H), jnp.float32),
        pltpu.VMEM((G, H), jnp.float32),
        pltpu.VMEM((G, XP), jnp.float32),
        pltpu.VMEM((G, XP), jnp.float32),
        pltpu.SemaphoreType.DMA,
        pltpu.SemaphoreType.DMA,
        pltpu.SemaphoreType.DMA,
        pltpu.SemaphoreType.DMA,
    ],
    compiler_params=_sc_params,
)
def _gather_kernel(row2d, col2d, hr_hbm, hc_hbm, xp_hbm, g_hbm, diff_hbm,
                   ridx, cidx, bufr, bufc, bufxr, bufxc,
                   sem1, sem2, sem3, sem4):
    c = lax.axis_index("c")
    s = lax.axis_index("s")
    w = s * NC + c
    n_w = (NGROUPS - w + NW - 1) // NW

    def body(i, _):
        g = w + i * NW
        base = g * G
        pltpu.sync_copy(row2d.at[pl.ds(g, 1)], ridx)
        pltpu.sync_copy(col2d.at[pl.ds(g, 1)], cidx)
        cp1 = pltpu.async_copy(hr_hbm.at[ridx.at[0]], bufr, sem1)
        cp2 = pltpu.async_copy(hc_hbm.at[cidx.at[0]], bufc, sem2)
        cp3 = pltpu.async_copy(xp_hbm.at[ridx.at[0]], bufxr, sem3)
        cp4 = pltpu.async_copy(xp_hbm.at[cidx.at[0]], bufxc, sem4)
        cp1.wait()
        cp2.wait()
        cp3.wait()
        cp4.wait()

        def addrow(r, carry):
            for k in range(H // 16):
                bufr[r, pl.ds(k * 16, 16)] = (bufr[r, pl.ds(k * 16, 16)]
                                              + bufc[r, pl.ds(k * 16, 16)])
            bufxr[r, pl.ds(0, 16)] = (bufxr[r, pl.ds(0, 16)]
                                      - bufxc[r, pl.ds(0, 16)])
            return carry

        lax.fori_loop(0, G, addrow, 0)
        pltpu.sync_copy(bufr, g_hbm.at[pl.ds(base, G)])
        pltpu.sync_copy(bufxr, diff_hbm.at[pl.ds(base, G)])
        return _

    lax.fori_loop(0, n_w, body, 0)


def _edge_body(g_ref, diff_ref, attr_ref, w1a_ref, wrad_ref, b1_ref,
               w2_ref, b2_ref, w3_ref, b3_ref, w4_ref, m_ref, trans_ref):
    diff = diff_ref[...]
    radial = jnp.sum(diff * diff, axis=1, keepdims=True)
    t1 = (g_ref[...] + radial * wrad_ref[...]
          + jnp.dot(attr_ref[...], w1a_ref[...],
                    preferred_element_type=jnp.float32)
          + b1_ref[...])
    a = t1 * jax.nn.sigmoid(t1)
    m = jnp.dot(a, w2_ref[...], preferred_element_type=jnp.float32) + b2_ref[...]
    u0 = jnp.dot(m, w3_ref[...], preferred_element_type=jnp.float32) + b3_ref[...]
    u = u0 * jax.nn.sigmoid(u0)
    phi = jnp.sum(u * w4_ref[...], axis=1, keepdims=True)
    m_ref[...] = m
    trans_ref[...] = diff * phi


def _edge_call(g, diff, attr, w1a, wrad, b1, w2, b2, w3, b3, w4row):
    BE = 4000
    grid = (E // BE,)
    full = lambda i: (0, 0)
    return pl.pallas_call(
        _edge_body,
        grid=grid,
        in_specs=[
            pl.BlockSpec((BE, H), lambda i: (i, 0)),
            pl.BlockSpec((BE, XP), lambda i: (i, 0)),
            pl.BlockSpec((BE, ED), lambda i: (i, 0)),
            pl.BlockSpec((ED, H), full),
            pl.BlockSpec((1, H), full),
            pl.BlockSpec((1, H), full),
            pl.BlockSpec((H, H), full),
            pl.BlockSpec((1, H), full),
            pl.BlockSpec((H, H), full),
            pl.BlockSpec((1, H), full),
            pl.BlockSpec((1, H), full),
        ],
        out_specs=[
            pl.BlockSpec((BE, H), lambda i: (i, 0)),
            pl.BlockSpec((BE, XP), lambda i: (i, 0)),
        ],
        out_shape=[
            jax.ShapeDtypeStruct((E, H), jnp.float32),
            jax.ShapeDtypeStruct((E, XP), jnp.float32),
        ],
    )(g, diff, attr, w1a, wrad, b1, w2, b2, w3, b3, w4row)


@functools.partial(
    pl.kernel,
    out_type=(jax.ShapeDtypeStruct((NC, N, H), jnp.float32),
              jax.ShapeDtypeStruct((NC, N, XP), jnp.float32)),
    mesh=_sc_mesh,
    scratch_types=[
        pltpu.VMEM((1, G), jnp.int32),
        pltpu.VMEM((G, H), jnp.float32),
        pltpu.VMEM((G, XP), jnp.float32),
        pltpu.VMEM_SHARED((N, H), jnp.float32),
        pltpu.VMEM_SHARED((N, XP), jnp.float32),
        pltpu.SemaphoreType.DMA,
        pltpu.SemaphoreType.DMA,
    ],
    compiler_params=_sc_params,
)
def _scatter_kernel(row2d, m_hbm, trans_hbm, zh_hbm, zx_hbm,
                    aggh_out, aggx_out,
                    ridx, bufm, bufx, sh_h, sh_x, sem1, sem2):
    c = lax.axis_index("c")
    s = lax.axis_index("s")
    w = s * NC + c
    n_w = (NGROUPS - w + NW - 1) // NW

    pltpu.sync_copy(zh_hbm, sh_h.at[pl.ds(s * RPT, RPT)])
    pltpu.sync_copy(zx_hbm, sh_x.at[pl.ds(s * RPT, RPT)])
    plsc.subcore_barrier()

    def body(i, _):
        g = w + i * NW
        base = g * G
        pltpu.sync_copy(row2d.at[pl.ds(g, 1)], ridx)
        cp1 = pltpu.async_copy(m_hbm.at[pl.ds(base, G)], bufm, sem1)
        cp2 = pltpu.async_copy(trans_hbm.at[pl.ds(base, G)], bufx, sem2)
        cp1.wait()
        cp2.wait()
        pltpu.sync_copy(bufm, sh_h.at[ridx.at[0]], add=True)
        pltpu.sync_copy(bufx, sh_x.at[ridx.at[0]], add=True)
        return _

    lax.fori_loop(0, n_w, body, 0)
    plsc.subcore_barrier()
    pltpu.sync_copy(sh_h.at[pl.ds(s * RPT, RPT)],
                    aggh_out.at[c].at[pl.ds(s * RPT, RPT)])
    pltpu.sync_copy(sh_x.at[pl.ds(s * RPT, RPT)],
                    aggx_out.at[c].at[pl.ds(s * RPT, RPT)])


def _node_body(h_ref, p5_ref, aggh_ref, aggx_ref, xp_ref,
               w5b_ref, b5_ref, w6_ref, b6_ref, hout_ref, xacc_ref):
    aggh = aggh_ref[0] + aggh_ref[1]
    z0 = (p5_ref[...]
          + jnp.dot(aggh, w5b_ref[...], preferred_element_type=jnp.float32)
          + b5_ref[...])
    z = z0 * jax.nn.sigmoid(z0)
    hout_ref[...] = (h_ref[...]
                     + jnp.dot(z, w6_ref[...],
                               preferred_element_type=jnp.float32)
                     + b6_ref[...])
    xacc_ref[...] = xp_ref[...] + aggx_ref[0] + aggx_ref[1]


def _node_call(h, p5, aggh_p, aggx_p, xpad, w5b, b5, w6, b6):
    BN = 2000
    grid = (N // BN,)
    full = lambda i: (0, 0)
    return pl.pallas_call(
        _node_body,
        grid=grid,
        in_specs=[
            pl.BlockSpec((BN, D), lambda i: (i, 0)),
            pl.BlockSpec((BN, H), lambda i: (i, 0)),
            pl.BlockSpec((NC, BN, H), lambda i: (0, i, 0)),
            pl.BlockSpec((NC, BN, XP), lambda i: (0, i, 0)),
            pl.BlockSpec((BN, XP), lambda i: (i, 0)),
            pl.BlockSpec((H, H), full),
            pl.BlockSpec((1, H), full),
            pl.BlockSpec((H, D), full),
            pl.BlockSpec((1, D), full),
        ],
        out_specs=[
            pl.BlockSpec((BN, D), lambda i: (i, 0)),
            pl.BlockSpec((BN, XP), lambda i: (i, 0)),
        ],
        out_shape=[
            jax.ShapeDtypeStruct((N, D), jnp.float32),
            jax.ShapeDtypeStruct((N, XP), jnp.float32),
        ],
    )(h, p5, aggh_p, aggx_p, xpad, w5b, b5, w6, b6)


def kernel(h, x, edge_index, edge_attr, W1, b1, W2, b2, W3, b3, W4, W5, b5,
           W6, b6):
    row2d = edge_index[0].reshape(NGROUPS, G)
    col2d = edge_index[1].reshape(NGROUPS, G)
    xpad = jnp.pad(x, ((0, 0), (0, XP - 3)))

    w1r = W1[:D]
    w1c = W1[D:2 * D]
    wrad = W1[2 * D:2 * D + 1]
    w1a = W1[2 * D + 1:]
    w4row = W4.reshape(1, H)

    hr, hc, p5 = _pre_call(h, w1r, w1c, W5[:D])
    g, diff = _gather_kernel(row2d, col2d, hr, hc, xpad)
    m, trans = _edge_call(g, diff, edge_attr, w1a, wrad, b1.reshape(1, H),
                          W2, b2.reshape(1, H), W3, b3.reshape(1, H), w4row)
    zh = jnp.zeros((RPT, H), jnp.float32)
    zx = jnp.zeros((RPT, XP), jnp.float32)
    aggh_p, aggx_p = _scatter_kernel(row2d, m, trans, zh, zx)
    h_out, xacc = _node_call(h, p5, aggh_p, aggx_p, xpad, W5[D:],
                             b5.reshape(1, H), W6, b6.reshape(1, D))
    x_out = xacc[:, :3]
    return (h_out, x_out)

# --- scband reference (transcript-rebuilt; emitter-appended) ---
"""Pipeline reference for scband-egnnlayer-7275674599753 (READ-ONLY COPY).

The authoritative reference and input builder live on the scoring server;
editing this copy changes nothing except your own understanding.
"""

import jax, jax.numpy as jnp
import numpy as np

N = 10000
E = 320000
D = 128
ED = 16
H = 64
EDGE_IN = 2 * D + 1 + ED

def silu(v):
    return v * jax.nn.sigmoid(v)

def setup_inputs(seed: int = 0) -> dict:
    key = jax.random.key(seed)
    ks = jax.random.split(key, 16)
    h = jax.random.normal(ks[0], (N, D), dtype=jnp.float32)
    x = jax.random.normal(ks[1], (N, 3), dtype=jnp.float32)
    edge_index = jax.random.randint(ks[2], (2, E), 0, N, dtype=jnp.int32)
    edge_attr = jax.random.normal(ks[3], (E, ED), dtype=jnp.float32)
    W1 = jax.random.normal(ks[4], (EDGE_IN, H), dtype=jnp.float32) / jnp.sqrt(float(EDGE_IN))
    b1 = jnp.zeros((H,), dtype=jnp.float32)
    W2 = jax.random.normal(ks[5], (H, H), dtype=jnp.float32) / jnp.sqrt(float(H))
    b2 = jnp.zeros((H,), dtype=jnp.float32)
    W3 = jax.random.normal(ks[6], (H, H), dtype=jnp.float32) / jnp.sqrt(float(H))
    b3 = jnp.zeros((H,), dtype=jnp.float32)
    W4 = jax.random.normal(ks[7], (H, 1), dtype=jnp.float32) / jnp.sqrt(float(H))
    W5 = jax.random.normal(ks[8], (D + H, H), dtype=jnp.float32) / jnp.sqrt(float(D + H))
    b5 = jnp.zeros((H,), dtype=jnp.float32)
    W6 = jax.random.normal(ks[9], (H, D), dtype=jnp.float32) / jnp.sqrt(float(H))
    b6 = jnp.zeros((D,), dtype=jnp.float32)
    return {"h": h, "x": x, "edge_index": edge_index, "edge_attr": edge_attr,
            "W1": W1, "b1": b1, "W2": W2, "b2": b2, "W3": W3, "b3": b3,
            "W4": W4, "W5": W5, "b5": b5, "W6": W6, "b6": b6}

def reference(h, x, edge_index, edge_attr, W1, b1, W2, b2, W3, b3, W4, W5, b5, W6, b6):
    row = edge_index[0]
    col = edge_index[1]
    coord_diff = x[row] - x[col]
    radial = jnp.sum(coord_diff ** 2, axis=1, keepdims=True)
    edge_input = jnp.concatenate([h[row], h[col], radial, edge_attr], axis=-1)
    m = silu(edge_input @ W1 + b1) @ W2 + b2
    phi = silu(m @ W3 + b3) @ W4
    trans = coord_diff * phi
    agg = jnp.zeros_like(x).at[row].add(trans)
    x_out = x + agg
    agg_h = jnp.zeros((h.shape[0], m.shape[1]), dtype=h.dtype).at[row].add(m)
    node_input = jnp.concatenate([h, agg_h], axis=-1)
    h_out = h + (silu(node_input @ W5 + b5) @ W6 + b6)
    return (h_out, x_out)

if __name__ == "__main__":
    import jax
    _d = setup_inputs()
    print(jax.jit(kernel)(*tuple(_d.values())))

</pallas_src>

<mosaic_0001>
#map = affine_map<(d0, d1) -> (0, 0)>
#map1 = affine_map<(d0, d1) -> (0, 0, 0)>
module attributes {stable_mosaic.version = 14 : i64} {
  func.func @_scatter_kernel(%arg0: i32, %arg1: i32, %arg2: memref<2500x128xi32, #tpu.memory_space<hbm>>, %arg3: memref<320000x64xf32, #tpu.memory_space<hbm>>, %arg4: memref<320000x16xf32, #tpu.memory_space<hbm>>, %arg5: memref<625x64xf32, #tpu.memory_space<hbm>>, %arg6: memref<625x16xf32, #tpu.memory_space<hbm>>, %arg7: memref<2x10000x64xf32, #tpu.memory_space<hbm>>, %arg8: memref<2x10000x16xf32, #tpu.memory_space<hbm>>, %arg9: memref<1x128xi32, #tpu.memory_space<vmem>>, %arg10: memref<128x64xf32, #tpu.memory_space<vmem>>, %arg11: memref<128x16xf32, #tpu.memory_space<vmem>>, %arg12: memref<10000x64xf32, #tpu.memory_space<vmem_shared>>, %arg13: memref<10000x16xf32, #tpu.memory_space<vmem_shared>>, %arg14: memref<!tpu.dma_semaphore, #tpu.memory_space<semaphore_mem>>, %arg15: memref<!tpu.dma_semaphore, #tpu.memory_space<semaphore_mem>>) attributes {dimension_semantics = [#tpu.dimension_semantics<core_parallel>, #tpu.dimension_semantics<subcore_parallel>], iteration_bounds = array<i64: 2, 16>, scalar_prefetch = 0 : i64, scratch_operands = 7 : i64, tpu.core_type = #tpu.core_type<sc_vector_subcore>, window_params = [{transform_indices = #map}, {transform_indices = #map}, {transform_indices = #map}, {transform_indices = #map}, {transform_indices = #map}, {transform_indices = #map1}, {transform_indices = #map1}]} {
    %mul3A = arith.constant 2 : i32
    %mul3A_0 = arith.muli %arg1, %mul3A : i32
    %add3A = arith.addi %mul3A_0, %arg0 : i32
    %sub3A = arith.constant 2500 : i32
    %sub3A_1 = arith.subi %sub3A, %add3A : i32
    %add3A_2 = arith.constant 32 : i32
    %add3A_3 = arith.addi %sub3A_1, %add3A_2 : i32
    %sub3A_4 = arith.constant 1 : i32
    %sub3A_5 = arith.subi %add3A_3, %sub3A_4 : i32
    %jit3A = arith.constant 32 : i32
    %div3A = arith.divsi %sub3A_5, %jit3A : i32
    %sign3A = arith.constant 0 : i32
    %sign3A_6 = arith.cmpi sgt, %sub3A_5, %sign3A : i32
    %sign3A_7 = arith.extui %sign3A_6 : i1 to i32
    %sign3A_8 = arith.constant 0 : i32
    %sign3A_9 = arith.cmpi slt, %sub3A_5, %sign3A_8 : i32
    %sign3A_10 = arith.extui %sign3A_9 : i1 to i32
    %sign3A_11 = arith.subi %sign3A_7, %sign3A_10 : i32
    %sign3A_12 = arith.constant 0 : i32
    %sign3A_13 = arith.cmpi sgt, %jit3A, %sign3A_12 : i32
    %sign3A_14 = arith.extui %sign3A_13 : i1 to i32
    %sign3A_15 = arith.constant 0 : i32
    %sign3A_16 = arith.cmpi slt, %jit3A, %sign3A_15 : i32
    %sign3A_17 = arith.extui %sign3A_16 : i1 to i32
    %sign3A_18 = arith.subi %sign3A_14, %sign3A_17 : i32
    %ne3A = arith.cmpi ne, %sign3A_11, %sign3A_18 : i32
    %rem3A = arith.remsi %sub3A_5, %jit3A : i32
    %ne3A_19 = arith.constant 0 : i32
    %ne3A_20 = arith.cmpi ne, %rem3A, %ne3A_19 : i32
    %and3A = arith.andi %ne3A, %ne3A_20 : i1
    %sub3A_21 = arith.constant 1 : i32
    %sub3A_22 = arith.subi %div3A, %sub3A_21 : i32
    %select_n3A = arith.select %and3A, %sub3A_22, %div3A : i32
    %mul3A_23 = arith.constant 625 : i32
    %mul3A_24 = arith.muli %arg1, %mul3A_23 : i32
    "tpu.region"() ({
      %run_scoped3A = tpu.sem_alloc : memref<!tpu.dma_semaphore, #tpu.memory_space<semaphore_mem>>
      %dma_start3A = arith.constant 0 : i32
      %dma_start3A_45 = tpu.memref_slice %arg12[%mul3A_24, %dma_start3A] : memref<10000x64xf32, #tpu.memory_space<vmem_shared>> -> memref<625x64xf32, #tpu.memory_space<vmem_shared>>
      tpu.enqueue_dma source(%arg5 : memref<625x64xf32, #tpu.memory_space<hbm>>) target(%dma_start3A_45 : memref<625x64xf32, #tpu.memory_space<vmem_shared>>) target_semaphore(%run_scoped3A : memref<!tpu.dma_semaphore, #tpu.memory_space<semaphore_mem>>)
      %dma_wait3A = arith.constant 0 : i32
      %dma_wait3A_46 = tpu.memref_slice %arg12[%mul3A_24, %dma_wait3A] : memref<10000x64xf32, #tpu.memory_space<vmem_shared>> -> memref<625x64xf32, #tpu.memory_space<vmem_shared>>
      tpu.wait_dma2 semaphore(%run_scoped3A : memref<!tpu.dma_semaphore, #tpu.memory_space<semaphore_mem>>) src(%arg5 : memref<625x64xf32, #tpu.memory_space<hbm>>) dst(%dma_wait3A_46 : memref<625x64xf32, #tpu.memory_space<vmem_shared>>)
      tpu.yield
    }) : () -> ()
    %mul3A_25 = arith.constant 625 : i32
    %mul3A_26 = arith.muli %arg1, %mul3A_25 : i32
    "tpu.region"() ({
      %run_scoped3A = tpu.sem_alloc : memref<!tpu.dma_semaphore, #tpu.memory_space<semaphore_mem>>
      %dma_start3A = arith.constant 0 : i32
      %dma_start3A_45 = tpu.memref_slice %arg13[%mul3A_26, %dma_start3A] : memref<10000x16xf32, #tpu.memory_space<vmem_shared>> -> memref<625x16xf32, #tpu.memory_space<vmem_shared>>
      tpu.enqueue_dma source(%arg6 : memref<625x16xf32, #tpu.memory_space<hbm>>) target(%dma_start3A_45 : memref<625x16xf32, #tpu.memory_space<vmem_shared>>) target_semaphore(%run_scoped3A : memref<!tpu.dma_semaphore, #tpu.memory_space<semaphore_mem>>)
      %dma_wait3A = arith.constant 0 : i32
      %dma_wait3A_46 = tpu.memref_slice %arg13[%mul3A_26, %dma_wait3A] : memref<10000x16xf32, #tpu.memory_space<vmem_shared>> -> memref<625x16xf32, #tpu.memory_space<vmem_shared>>
      tpu.wait_dma2 semaphore(%run_scoped3A : memref<!tpu.dma_semaphore, #tpu.memory_space<semaphore_mem>>) src(%arg6 : memref<625x16xf32, #tpu.memory_space<hbm>>) dst(%dma_wait3A_46 : memref<625x16xf32, #tpu.memory_space<vmem_shared>>)
      tpu.yield
    }) : () -> ()
    %barrier3A = arith.constant 0 : index
    tpu.barrier barrier_id(%barrier3A)
    %while3A = arith.constant 0 : i32
    %while3A_27 = arith.constant 0 : i32
    %while3A_28 = arith.subi %select_n3A, %while3A_27 : i32
    %while3A_29 = arith.addi %while3A_27, %while3A_28 : i32
    %while3A_30 = arith.constant 1 : i32
    %while3A_31 = arith.divsi %while3A_28, %while3A_30 : i32
    %while3A_32 = arith.muli %while3A_31, %while3A_30 : i32
    %while3A_33 = arith.addi %while3A_27, %while3A_32 : i32
    %while3A_34 = arith.constant 1 : i32
    scf.for %while3A_45 = %while3A_27 to %while3A_33 step %while3A_34  : i32 {
      %mul3A_46 = arith.constant 32 : i32
      %mul3A_47 = arith.muli %while3A_45, %mul3A_46 : i32
      %add3A_48 = arith.addi %add3A, %mul3A_47 : i32
      %mul3A_49 = arith.constant 128 : i32
      %mul3A_50 = arith.muli %add3A_48, %mul3A_49 : i32
      "tpu.region"() ({
        %run_scoped3A_66 = tpu.sem_alloc : memref<!tpu.dma_semaphore, #tpu.memory_space<semaphore_mem>>
        %dma_start3A_67 = arith.constant 0 : i32
        %dma_start3A_68 = tpu.memref_slice %arg2[%add3A_48, %dma_start3A_67] : memref<2500x128xi32, #tpu.memory_space<hbm>> -> memref<1x128xi32, #tpu.memory_space<hbm>>
        %dma_start3A_69 = arith.constant 0 : i32
        %dma_start3A_70 = tpu.memref_slice %arg2[%add3A_48, %dma_start3A_69] : memref<2500x128xi32, #tpu.memory_space<hbm>> -> memref<1x128xi32, #tpu.memory_space<hbm>>
        tpu.enqueue_dma source(%dma_start3A_70 : memref<1x128xi32, #tpu.memory_space<hbm>>) target(%arg9 : memref<1x128xi32, #tpu.memory_space<vmem>>) target_semaphore(%run_scoped3A_66 : memref<!tpu.dma_semaphore, #tpu.memory_space<semaphore_mem>>)
        %dma_wait3A_71 = arith.constant 0 : i32
        %dma_wait3A_72 = tpu.memref_slice %arg2[%add3A_48, %dma_wait3A_71] : memref<2500x128xi32, #tpu.memory_space<hbm>> -> memref<1x128xi32, #tpu.memory_space<hbm>>
        %dma_wait3A_73 = arith.constant 0 : i32
        %dma_wait3A_74 = tpu.memref_slice %arg2[%add3A_48, %dma_wait3A_73] : memref<2500x128xi32, #tpu.memory_space<hbm>> -> memref<1x128xi32, #tpu.memory_space<hbm>>
        tpu.wait_dma2 semaphore(%run_scoped3A_66 : memref<!tpu.dma_semaphore, #tpu.memory_space<semaphore_mem>>) src(%dma_wait3A_74 : memref<1x128xi32, #tpu.memory_space<hbm>>) dst(%arg9 : memref<1x128xi32, #tpu.memory_space<vmem>>)
        tpu.yield
      }) : () -> ()
      %dma_start3A = arith.constant 0 : i32
      %dma_start3A_51 = tpu.memref_slice %arg3[%mul3A_50, %dma_start3A] : memref<320000x64xf32, #tpu.memory_space<hbm>> -> memref<128x64xf32, #tpu.memory_space<hbm>>
      %dma_start3A_52 = arith.constant 0 : i32
      %dma_start3A_53 = tpu.memref_slice %arg3[%mul3A_50, %dma_start3A_52] : memref<320000x64xf32, #tpu.memory_space<hbm>> -> memref<128x64xf32, #tpu.memory_space<hbm>>
      tpu.enqueue_dma source(%dma_start3A_53 : memref<128x64xf32, #tpu.memory_space<hbm>>) target(%arg10 : memref<128x64xf32, #tpu.memory_space<vmem>>) target_semaphore(%arg14 : memref<!tpu.dma_semaphore, #tpu.memory_space<semaphore_mem>>)
      %dma_start3A_54 = arith.constant 0 : i32
      %dma_start3A_55 = tpu.memref_slice %arg4[%mul3A_50, %dma_start3A_54] : memref<320000x16xf32, #tpu.memory_space<hbm>> -> memref<128x16xf32, #tpu.memory_space<hbm>>
      %dma_start3A_56 = arith.constant 0 : i32
      %dma_start3A_57 = tpu.memref_slice %arg4[%mul3A_50, %dma_start3A_56] : memref<320000x16xf32, #tpu.memory_space<hbm>> -> memref<128x16xf32, #tpu.memory_space<hbm>>
      tpu.enqueue_dma source(%dma_start3A_57 : memref<128x16xf32, #tpu.memory_space<hbm>>) target(%arg11 : memref<128x16xf32, #tpu.memory_space<vmem>>) target_semaphore(%arg15 : memref<!tpu.dma_semaphore, #tpu.memory_space<semaphore_mem>>)
      %dma_wait3A = arith.constant 0 : i32
      %dma_wait3A_58 = tpu.memref_slice %arg3[%mul3A_50, %dma_wait3A] : memref<320000x64xf32, #tpu.memory_space<hbm>> -> memref<128x64xf32, #tpu.memory_space<hbm>>
      %dma_wait3A_59 = arith.constant 0 : i32
      %dma_wait3A_60 = tpu.memref_slice %arg3[%mul3A_50, %dma_wait3A_59] : memref<320000x64xf32, #tpu.memory_space<hbm>> -> memref<128x64xf32, #tpu.memory_space<hbm>>
      tpu.wait_dma2 semaphore(%arg14 : memref<!tpu.dma_semaphore, #tpu.memory_space<semaphore_mem>>) src(%dma_wait3A_60 : memref<128x64xf32, #tpu.memory_space<hbm>>) dst(%arg10 : memref<128x64xf32, #tpu.memory_space<vmem>>)
      %dma_wait3A_61 = arith.constant 0 : i32
      %dma_wait3A_62 = tpu.memref_slice %arg4[%mul3A_50, %dma_wait3A_61] : memref<320000x16xf32, #tpu.memory_space<hbm>> -> memref<128x16xf32, #tpu.memory_space<hbm>>
      %dma_wait3A_63 = arith.constant 0 : i32
      %dma_wait3A_64 = tpu.memref_slice %arg4[%mul3A_50, %dma_wait3A_63] : memref<320000x16xf32, #tpu.memory_space<hbm>> -> memref<128x16xf32, #tpu.memory_space<hbm>>
      tpu.wait_dma2 semaphore(%arg15 : memref<!tpu.dma_semaphore, #tpu.memory_space<semaphore_mem>>) src(%dma_wait3A_64 : memref<128x16xf32, #tpu.memory_space<hbm>>) dst(%arg11 : memref<128x16xf32, #tpu.memory_space<vmem>>)
      %run_scoped3A = arith.constant 0 : i32
      "tpu.region"() ({
        %run_scoped3A_66 = tpu.sem_alloc : memref<!tpu.dma_semaphore, #tpu.memory_space<semaphore_mem>>
        %dma_start3A_67 = arith.constant 0 : i32
        %dma_start3A_68 = tpu.memref_slice %arg9[%run_scoped3A, %dma_start3A_67] : memref<1x128xi32, #tpu.memory_space<vmem>> -> memref<1x128xi32, #tpu.memory_space<vmem>>
        %dma_start3A_69 = tpu.memref_squeeze %dma_start3A_68 : memref<1x128xi32, #tpu.memory_space<vmem>> -> memref<128xi32, #tpu.memory_space<vmem>>
        %dma_start3A_70 = arith.constant 0 : i32
        %dma_start3A_71 = arith.constant 0 : i32
        %dma_start3A_72 = tpu.memref_slice %arg12[%dma_start3A_70, %dma_start3A_71] : memref<10000x64xf32, #tpu.memory_space<vmem_shared>> -> memref<10000x64xf32, #tpu.memory_space<vmem_shared>>
        tpu.enqueue_indirect_dma source(%arg10 : memref<128x64xf32, #tpu.memory_space<vmem>>) target(%dma_start3A_72 : memref<10000x64xf32, #tpu.memory_space<vmem_shared>>) offsets(%dma_start3A_69 : memref<128xi32, #tpu.memory_space<vmem>>) semaphore(%run_scoped3A_66 : memref<!tpu.dma_semaphore, #tpu.memory_space<semaphore_mem>>) {add = true}
        %dma_wait3A_73 = arith.constant 0 : i32
        %dma_wait3A_74 = tpu.memref_slice %arg9[%run_scoped3A, %dma_wait3A_73] : memref<1x128xi32, #tpu.memory_space<vmem>> -> memref<1x128xi32, #tpu.memory_space<vmem>>
        %dma_wait3A_75 = tpu.memref_squeeze %dma_wait3A_74 : memref<1x128xi32, #tpu.memory_space<vmem>> -> memref<128xi32, #tpu.memory_space<vmem>>
        %dma_wait3A_76 = arith.constant 0 : i32
        %dma_wait3A_77 = arith.constant 0 : i32
        %dma_wait3A_78 = tpu.memref_slice %arg12[%dma_wait3A_76, %dma_wait3A_77] : memref<10000x64xf32, #tpu.memory_space<vmem_shared>> -> memref<10000x64xf32, #tpu.memory_space<vmem_shared>>
        tpu.wait_indirect_dma semaphore(%run_scoped3A_66 : memref<!tpu.dma_semaphore, #tpu.memory_space<semaphore_mem>>) src(%arg10 : memref<128x64xf32, #tpu.memory_space<vmem>>) dst(%dma_wait3A_78 : memref<10000x64xf32, #tpu.memory_space<vmem_shared>>)
        tpu.yield
      }) : () -> ()
      %run_scoped3A_65 = arith.constant 0 : i32
      "tpu.region"() ({
        %run_scoped3A_66 = tpu.sem_alloc : memref<!tpu.dma_semaphore, #tpu.memory_space<semaphore_mem>>
        %dma_start3A_67 = arith.constant 0 : i32
        %dma_start3A_68 = tpu.memref_slice %arg9[%run_scoped3A_65, %dma_start3A_67] : memref<1x128xi32, #tpu.memory_space<vmem>> -> memref<1x128xi32, #tpu.memory_space<vmem>>
        %dma_start3A_69 = tpu.memref_squeeze %dma_start3A_68 : memref<1x128xi32, #tpu.memory_space<vmem>> -> memref<128xi32, #tpu.memory_space<vmem>>
        %dma_start3A_70 = arith.constant 0 : i32
        %dma_start3A_71 = arith.constant 0 : i32
        %dma_start3A_72 = tpu.memref_slice %arg13[%dma_start3A_70, %dma_start3A_71] : memref<10000x16xf32, #tpu.memory_space<vmem_shared>> -> memref<10000x16xf32, #tpu.memory_space<vmem_shared>>
        tpu.enqueue_indirect_dma source(%arg11 : memref<128x16xf32, #tpu.memory_space<vmem>>) target(%dma_start3A_72 : memref<10000x16xf32, #tpu.memory_space<vmem_shared>>) offsets(%dma_start3A_69 : memref<128xi32, #tpu.memory_space<vmem>>) semaphore(%run_scoped3A_66 : memref<!tpu.dma_semaphore, #tpu.memory_space<semaphore_mem>>) {add = true}
        %dma_wait3A_73 = arith.constant 0 : i32
        %dma_wait3A_74 = tpu.memref_slice %arg9[%run_scoped3A_65, %dma_wait3A_73] : memref<1x128xi32, #tpu.memory_space<vmem>> -> memref<1x128xi32, #tpu.memory_space<vmem>>
        %dma_wait3A_75 = tpu.memref_squeeze %dma_wait3A_74 : memref<1x128xi32, #tpu.memory_space<vmem>> -> memref<128xi32, #tpu.memory_space<vmem>>
        %dma_wait3A_76 = arith.constant 0 : i32
        %dma_wait3A_77 = arith.constant 0 : i32
        %dma_wait3A_78 = tpu.memref_slice %arg13[%dma_wait3A_76, %dma_wait3A_77] : memref<10000x16xf32, #tpu.memory_space<vmem_shared>> -> memref<10000x16xf32, #tpu.memory_space<vmem_shared>>
        tpu.wait_indirect_dma semaphore(%run_scoped3A_66 : memref<!tpu.dma_semaphore, #tpu.memory_space<semaphore_mem>>) src(%arg11 : memref<128x16xf32, #tpu.memory_space<vmem>>) dst(%dma_wait3A_78 : memref<10000x16xf32, #tpu.memory_space<vmem_shared>>)
        tpu.yield
      }) : () -> ()
    }
    %while3A_35 = arith.constant 1 : i32
    scf.for %while3A_45 = %while3A_33 to %while3A_29 step %while3A_35  : i32 {
      %mul3A_46 = arith.constant 32 : i32
      %mul3A_47 = arith.muli %while3A_45, %mul3A_46 : i32
      %add3A_48 = arith.addi %add3A, %mul3A_47 : i32
      %mul3A_49 = arith.constant 128 : i32
      %mul3A_50 = arith.muli %add3A_48, %mul3A_49 : i32
      "tpu.region"() ({
        %run_scoped3A_66 = tpu.sem_alloc : memref<!tpu.dma_semaphore, #tpu.memory_space<semaphore_mem>>
        %dma_start3A_67 = arith.constant 0 : i32
        %dma_start3A_68 = tpu.memref_slice %arg2[%add3A_48, %dma_start3A_67] : memref<2500x128xi32, #tpu.memory_space<hbm>> -> memref<1x128xi32, #tpu.memory_space<hbm>>
        %dma_start3A_69 = arith.constant 0 : i32
        %dma_start3A_70 = tpu.memref_slice %arg2[%add3A_48, %dma_start3A_69] : memref<2500x128xi32, #tpu.memory_space<hbm>> -> memref<1x128xi32, #tpu.memory_space<hbm>>
        tpu.enqueue_dma source(%dma_start3A_70 : memref<1x128xi32, #tpu.memory_space<hbm>>) target(%arg9 : memref<1x128xi32, #tpu.memory_space<vmem>>) target_semaphore(%run_scoped3A_66 : memref<!tpu.dma_semaphore, #tpu.memory_space<semaphore_mem>>)
        %dma_wait3A_71 = arith.constant 0 : i32
        %dma_wait3A_72 = tpu.memref_slice %arg2[%add3A_48, %dma_wait3A_71] : memref<2500x128xi32, #tpu.memory_space<hbm>> -> memref<1x128xi32, #tpu.memory_space<hbm>>
        %dma_wait3A_73 = arith.constant 0 : i32
        %dma_wait3A_74 = tpu.memref_slice %arg2[%add3A_48, %dma_wait3A_73] : memref<2500x128xi32, #tpu.memory_space<hbm>> -> memref<1x128xi32, #tpu.memory_space<hbm>>
        tpu.wait_dma2 semaphore(%run_scoped3A_66 : memref<!tpu.dma_semaphore, #tpu.memory_space<semaphore_mem>>) src(%dma_wait3A_74 : memref<1x128xi32, #tpu.memory_space<hbm>>) dst(%arg9 : memref<1x128xi32, #tpu.memory_space<vmem>>)
        tpu.yield
      }) : () -> ()
      %dma_start3A = arith.constant 0 : i32
      %dma_start3A_51 = tpu.memref_slice %arg3[%mul3A_50, %dma_start3A] : memref<320000x64xf32, #tpu.memory_space<hbm>> -> memref<128x64xf32, #tpu.memory_space<hbm>>
      %dma_start3A_52 = arith.constant 0 : i32
      %dma_start3A_53 = tpu.memref_slice %arg3[%mul3A_50, %dma_start3A_52] : memref<320000x64xf32, #tpu.memory_space<hbm>> -> memref<128x64xf32, #tpu.memory_space<hbm>>
      tpu.enqueue_dma source(%dma_start3A_53 : memref<128x64xf32, #tpu.memory_space<hbm>>) target(%arg10 : memref<128x64xf32, #tpu.memory_space<vmem>>) target_semaphore(%arg14 : memref<!tpu.dma_semaphore, #tpu.memory_space<semaphore_mem>>)
      %dma_start3A_54 = arith.constant 0 : i32
      %dma_start3A_55 = tpu.memref_slice %arg4[%mul3A_50, %dma_start3A_54] : memref<320000x16xf32, #tpu.memory_space<hbm>> -> memref<128x16xf32, #tpu.memory_space<hbm>>
      %dma_start3A_56 = arith.constant 0 : i32
      %dma_start3A_57 = tpu.memref_slice %arg4[%mul3A_50, %dma_start3A_56] : memref<320000x16xf32, #tpu.memory_space<hbm>> -> memref<128x16xf32, #tpu.memory_space<hbm>>
      tpu.enqueue_dma source(%dma_start3A_57 : memref<128x16xf32, #tpu.memory_space<hbm>>) target(%arg11 : memref<128x16xf32, #tpu.memory_space<vmem>>) target_semaphore(%arg15 : memref<!tpu.dma_semaphore, #tpu.memory_space<semaphore_mem>>)
      %dma_wait3A = arith.constant 0 : i32
      %dma_wait3A_58 = tpu.memref_slice %arg3[%mul3A_50, %dma_wait3A] : memref<320000x64xf32, #tpu.memory_space<hbm>> -> memref<128x64xf32, #tpu.memory_space<hbm>>
      %dma_wait3A_59 = arith.constant 0 : i32
      %dma_wait3A_60 = tpu.memref_slice %arg3[%mul3A_50, %dma_wait3A_59] : memref<320000x64xf32, #tpu.memory_space<hbm>> -> memref<128x64xf32, #tpu.memory_space<hbm>>
      tpu.wait_dma2 semaphore(%arg14 : memref<!tpu.dma_semaphore, #tpu.memory_space<semaphore_mem>>) src(%dma_wait3A_60 : memref<128x64xf32, #tpu.memory_space<hbm>>) dst(%arg10 : memref<128x64xf32, #tpu.memory_space<vmem>>)
      %dma_wait3A_61 = arith.constant 0 : i32
      %dma_wait3A_62 = tpu.memref_slice %arg4[%mul3A_50, %dma_wait3A_61] : memref<320000x16xf32, #tpu.memory_space<hbm>> -> memref<128x16xf32, #tpu.memory_space<hbm>>
      %dma_wait3A_63 = arith.constant 0 : i32
      %dma_wait3A_64 = tpu.memref_slice %arg4[%mul3A_50, %dma_wait3A_63] : memref<320000x16xf32, #tpu.memory_space<hbm>> -> memref<128x16xf32, #tpu.memory_space<hbm>>
      tpu.wait_dma2 semaphore(%arg15 : memref<!tpu.dma_semaphore, #tpu.memory_space<semaphore_mem>>) src(%dma_wait3A_64 : memref<128x16xf32, #tpu.memory_space<hbm>>) dst(%arg11 : memref<128x16xf32, #tpu.memory_space<vmem>>)
      %run_scoped3A = arith.constant 0 : i32
      "tpu.region"() ({
        %run_scoped3A_66 = tpu.sem_alloc : memref<!tpu.dma_semaphore, #tpu.memory_space<semaphore_mem>>
        %dma_start3A_67 = arith.constant 0 : i32
        %dma_start3A_68 = tpu.memref_slice %arg9[%run_scoped3A, %dma_start3A_67] : memref<1x128xi32, #tpu.memory_space<vmem>> -> memref<1x128xi32, #tpu.memory_space<vmem>>
        %dma_start3A_69 = tpu.memref_squeeze %dma_start3A_68 : memref<1x128xi32, #tpu.memory_space<vmem>> -> memref<128xi32, #tpu.memory_space<vmem>>
        %dma_start3A_70 = arith.constant 0 : i32
        %dma_start3A_71 = arith.constant 0 : i32
        %dma_start3A_72 = tpu.memref_slice %arg12[%dma_start3A_70, %dma_start3A_71] : memref<10000x64xf32, #tpu.memory_space<vmem_shared>> -> memref<10000x64xf32, #tpu.memory_space<vmem_shared>>
        tpu.enqueue_indirect_dma source(%arg10 : memref<128x64xf32, #tpu.memory_space<vmem>>) target(%dma_start3A_72 : memref<10000x64xf32, #tpu.memory_space<vmem_shared>>) offsets(%dma_start3A_69 : memref<128xi32, #tpu.memory_space<vmem>>) semaphore(%run_scoped3A_66 : memref<!tpu.dma_semaphore, #tpu.memory_space<semaphore_mem>>) {add = true}
        %dma_wait3A_73 = arith.constant 0 : i32
        %dma_wait3A_74 = tpu.memref_slice %arg9[%run_scoped3A, %dma_wait3A_73] : memref<1x128xi32, #tpu.memory_space<vmem>> -> memref<1x128xi32, #tpu.memory_space<vmem>>
        %dma_wait3A_75 = tpu.memref_squeeze %dma_wait3A_74 : memref<1x128xi32, #tpu.memory_space<vmem>> -> memref<128xi32, #tpu.memory_space<vmem>>
        %dma_wait3A_76 = arith.constant 0 : i32
        %dma_wait3A_77 = arith.constant 0 : i32
        %dma_wait3A_78 = tpu.memref_slice %arg12[%dma_wait3A_76, %dma_wait3A_77] : memref<10000x64xf32, #tpu.memory_space<vmem_shared>> -> memref<10000x64xf32, #tpu.memory_space<vmem_shared>>
        tpu.wait_indirect_dma semaphore(%run_scoped3A_66 : memref<!tpu.dma_semaphore, #tpu.memory_space<semaphore_mem>>) src(%arg10 : memref<128x64xf32, #tpu.memory_space<vmem>>) dst(%dma_wait3A_78 : memref<10000x64xf32, #tpu.memory_space<vmem_shared>>)
        tpu.yield
      }) : () -> ()
      %run_scoped3A_65 = arith.constant 0 : i32
      "tpu.region"() ({
        %run_scoped3A_66 = tpu.sem_alloc : memref<!tpu.dma_semaphore, #tpu.memory_space<semaphore_mem>>
        %dma_start3A_67 = arith.constant 0 : i32
        %dma_start3A_68 = tpu.memref_slice %arg9[%run_scoped3A_65, %dma_start3A_67] : memref<1x128xi32, #tpu.memory_space<vmem>> -> memref<1x128xi32, #tpu.memory_space<vmem>>
        %dma_start3A_69 = tpu.memref_squeeze %dma_start3A_68 : memref<1x128xi32, #tpu.memory_space<vmem>> -> memref<128xi32, #tpu.memory_space<vmem>>
        %dma_start3A_70 = arith.constant 0 : i32
        %dma_start3A_71 = arith.constant 0 : i32
        %dma_start3A_72 = tpu.memref_slice %arg13[%dma_start3A_70, %dma_start3A_71] : memref<10000x16xf32, #tpu.memory_space<vmem_shared>> -> memref<10000x16xf32, #tpu.memory_space<vmem_shared>>
        tpu.enqueue_indirect_dma source(%arg11 : memref<128x16xf32, #tpu.memory_space<vmem>>) target(%dma_start3A_72 : memref<10000x16xf32, #tpu.memory_space<vmem_shared>>) offsets(%dma_start3A_69 : memref<128xi32, #tpu.memory_space<vmem>>) semaphore(%run_scoped3A_66 : memref<!tpu.dma_semaphore, #tpu.memory_space<semaphore_mem>>) {add = true}
        %dma_wait3A_73 = arith.constant 0 : i32
        %dma_wait3A_74 = tpu.memref_slice %arg9[%run_scoped3A_65, %dma_wait3A_73] : memref<1x128xi32, #tpu.memory_space<vmem>> -> memref<1x128xi32, #tpu.memory_space<vmem>>
        %dma_wait3A_75 = tpu.memref_squeeze %dma_wait3A_74 : memref<1x128xi32, #tpu.memory_space<vmem>> -> memref<128xi32, #tpu.memory_space<vmem>>
        %dma_wait3A_76 = arith.constant 0 : i32
        %dma_wait3A_77 = arith.constant 0 : i32
        %dma_wait3A_78 = tpu.memref_slice %arg13[%dma_wait3A_76, %dma_wait3A_77] : memref<10000x16xf32, #tpu.memory_space<vmem_shared>> -> memref<10000x16xf32, #tpu.memory_space<vmem_shared>>
        tpu.wait_indirect_dma semaphore(%run_scoped3A_66 : memref<!tpu.dma_semaphore, #tpu.memory_space<semaphore_mem>>) src(%arg11 : memref<128x16xf32, #tpu.memory_space<vmem>>) dst(%dma_wait3A_78 : memref<10000x16xf32, #tpu.memory_space<vmem_shared>>)
        tpu.yield
      }) : () -> ()
    }
    %barrier3A_36 = arith.constant 0 : index
    tpu.barrier barrier_id(%barrier3A_36)
    %mul3A_37 = arith.constant 625 : i32
    %mul3A_38 = arith.muli %arg1, %mul3A_37 : i32
    %mul3A_39 = arith.constant 625 : i32
    %mul3A_40 = arith.muli %arg1, %mul3A_39 : i32
    "tpu.region"() ({
      %run_scoped3A = tpu.sem_alloc : memref<!tpu.dma_semaphore, #tpu.memory_space<semaphore_mem>>
      %dma_start3A = arith.constant 0 : i32
      %dma_start3A_45 = arith.constant 0 : i32
      %dma_start3A_46 = tpu.memref_slice %arg7[%arg0, %dma_start3A, %dma_start3A_45] : memref<2x10000x64xf32, #tpu.memory_space<hbm>> -> memref<1x10000x64xf32, #tpu.memory_space<hbm>>
      %dma_start3A_47 = tpu.memref_squeeze %dma_start3A_46 : memref<1x10000x64xf32, #tpu.memory_space<hbm>> -> memref<10000x64xf32, #tpu.memory_space<hbm>>
      %dma_start3A_48 = arith.constant 0 : i32
      %dma_start3A_49 = tpu.memref_slice %dma_start3A_47[%mul3A_40, %dma_start3A_48] : memref<10000x64xf32, #tpu.memory_space<hbm>> -> memref<625x64xf32, #tpu.memory_space<hbm>>
      %dma_start3A_50 = arith.constant 0 : i32
      %dma_start3A_51 = tpu.memref_slice %arg12[%mul3A_38, %dma_start3A_50] : memref<10000x64xf32, #tpu.memory_space<vmem_shared>> -> memref<625x64xf32, #tpu.memory_space<vmem_shared>>
      tpu.enqueue_dma source(%dma_start3A_51 : memref<625x64xf32, #tpu.memory_space<vmem_shared>>) target(%dma_start3A_49 : memref<625x64xf32, #tpu.memory_space<hbm>>) target_semaphore(%run_scoped3A : memref<!tpu.dma_semaphore, #tpu.memory_space<semaphore_mem>>)
      %dma_wait3A = arith.constant 0 : i32
      %dma_wait3A_52 = arith.constant 0 : i32
      %dma_wait3A_53 = tpu.memref_slice %arg7[%arg0, %dma_wait3A, %dma_wait3A_52] : memref<2x10000x64xf32, #tpu.memory_space<hbm>> -> memref<1x10000x64xf32, #tpu.memory_space<hbm>>
      %dma_wait3A_54 = tpu.memref_squeeze %dma_wait3A_53 : memref<1x10000x64xf32, #tpu.memory_space<hbm>> -> memref<10000x64xf32, #tpu.memory_space<hbm>>
      %dma_wait3A_55 = arith.constant 0 : i32
      %dma_wait3A_56 = tpu.memref_slice %dma_wait3A_54[%mul3A_40, %dma_wait3A_55] : memref<10000x64xf32, #tpu.memory_space<hbm>> -> memref<625x64xf32, #tpu.memory_space<hbm>>
      %dma_wait3A_57 = arith.constant 0 : i32
      %dma_wait3A_58 = tpu.memref_slice %arg12[%mul3A_38, %dma_wait3A_57] : memref<10000x64xf32, #tpu.memory_space<vmem_shared>> -> memref<625x64xf32, #tpu.memory_space<vmem_shared>>
      tpu.wait_dma2 semaphore(%run_scoped3A : memref<!tpu.dma_semaphore, #tpu.memory_space<semaphore_mem>>) src(%dma_wait3A_58 : memref<625x64xf32, #tpu.memory_space<vmem_shared>>) dst(%dma_wait3A_56 : memref<625x64xf32, #tpu.memory_space<hbm>>)
      tpu.yield
    }) : () -> ()
    %mul3A_41 = arith.constant 625 : i32
    %mul3A_42 = arith.muli %arg1, %mul3A_41 : i32
    %mul3A_43 = arith.constant 625 : i32
    %mul3A_44 = arith.muli %arg1, %mul3A_43 : i32
    "tpu.region"() ({
      %run_scoped3A = tpu.sem_alloc : memref<!tpu.dma_semaphore, #tpu.memory_space<semaphore_mem>>
      %dma_start3A = arith.constant 0 : i32
      %dma_start3A_45 = arith.constant 0 : i32
      %dma_start3A_46 = tpu.memref_slice %arg8[%arg0, %dma_start3A, %dma_start3A_45] : memref<2x10000x16xf32, #tpu.memory_space<hbm>> -> memref<1x10000x16xf32, #tpu.memory_space<hbm>>
      %dma_start3A_47 = tpu.memref_squeeze %dma_start3A_46 : memref<1x10000x16xf32, #tpu.memory_space<hbm>> -> memref<10000x16xf32, #tpu.memory_space<hbm>>
      %dma_start3A_48 = arith.constant 0 : i32
      %dma_start3A_49 = tpu.memref_slice %dma_start3A_47[%mul3A_44, %dma_start3A_48] : memref<10000x16xf32, #tpu.memory_space<hbm>> -> memref<625x16xf32, #tpu.memory_space<hbm>>
      %dma_start3A_50 = arith.constant 0 : i32
      %dma_start3A_51 = tpu.memref_slice %arg13[%mul3A_42, %dma_start3A_50] : memref<10000x16xf32, #tpu.memory_space<vmem_shared>> -> memref<625x16xf32, #tpu.memory_space<vmem_shared>>
      tpu.enqueue_dma source(%dma_start3A_51 : memref<625x16xf32, #tpu.memory_space<vmem_shared>>) target(%dma_start3A_49 : memref<625x16xf32, #tpu.memory_space<hbm>>) target_semaphore(%run_scoped3A : memref<!tpu.dma_semaphore, #tpu.memory_space<semaphore_mem>>)
      %dma_wait3A = arith.constant 0 : i32
      %dma_wait3A_52 = arith.constant 0 : i32
      %dma_wait3A_53 = tpu.memref_slice %arg8[%arg0, %dma_wait3A, %dma_wait3A_52] : memref<2x10000x16xf32, #tpu.memory_space<hbm>> -> memref<1x10000x16xf32, #tpu.memory_space<hbm>>
      %dma_wait3A_54 = tpu.memref_squeeze %dma_wait3A_53 : memref<1x10000x16xf32, #tpu.memory_space<hbm>> -> memref<10000x16xf32, #tpu.memory_space<hbm>>
      %dma_wait3A_55 = arith.constant 0 : i32
      %dma_wait3A_56 = tpu.memref_slice %dma_wait3A_54[%mul3A_44, %dma_wait3A_55] : memref<10000x16xf32, #tpu.memory_space<hbm>> -> memref<625x16xf32, #tpu.memory_space<hbm>>
      %dma_wait3A_57 = arith.constant 0 : i32
      %dma_wait3A_58 = tpu.memref_slice %arg13[%mul3A_42, %dma_wait3A_57] : memref<10000x16xf32, #tpu.memory_space<vmem_shared>> -> memref<625x16xf32, #tpu.memory_space<vmem_shared>>
      tpu.wait_dma2 semaphore(%run_scoped3A : memref<!tpu.dma_semaphore, #tpu.memory_space<semaphore_mem>>) src(%dma_wait3A_58 : memref<625x16xf32, #tpu.memory_space<vmem_shared>>) dst(%dma_wait3A_56 : memref<625x16xf32, #tpu.memory_space<hbm>>)
      tpu.yield
    }) : () -> ()
    return
  }
}

#map = affine_map<(d0, d1) -> (0, 0)>
module attributes {stable_mosaic.version = 14 : i64} {
  func.func @_gather_kernel(%arg0: i32, %arg1: i32, %arg2: memref<2500x128xi32, #tpu.memory_space<hbm>>, %arg3: memref<2500x128xi32, #tpu.memory_space<hbm>>, %arg4: memref<10000x64xf32, #tpu.memory_space<hbm>>, %arg5: memref<10000x64xf32, #tpu.memory_space<hbm>>, %arg6: memref<10000x16xf32, #tpu.memory_space<hbm>>, %arg7: memref<320000x64xf32, #tpu.memory_space<hbm>>, %arg8: memref<320000x16xf32, #tpu.memory_space<hbm>>, %arg9: memref<1x128xi32, #tpu.memory_space<vmem>>, %arg10: memref<1x128xi32, #tpu.memory_space<vmem>>, %arg11: memref<128x64xf32, #tpu.memory_space<vmem>>, %arg12: memref<128x64xf32, #tpu.memory_space<vmem>>, %arg13: memref<128x16xf32, #tpu.memory_space<vmem>>, %arg14: memref<128x16xf32, #tpu.memory_space<vmem>>, %arg15: memref<!tpu.dma_semaphore, #tpu.memory_space<semaphore_mem>>, %arg16: memref<!tpu.dma_semaphore, #tpu.memory_space<semaphore_mem>>, %arg17: memref<!tpu.dma_semaphore, #tpu.memory_space<semaphore_mem>>, %arg18: memref<!tpu.dma_semaphore, #tpu.memory_space<semaphore_mem>>) attributes {dimension_semantics = [#tpu.dimension_semantics<core_parallel>, #tpu.dimension_semantics<subcore_parallel>], iteration_bounds = array<i64: 2, 16>, scalar_prefetch = 0 : i64, scratch_operands = 10 : i64, tpu.core_type = #tpu.core_type<sc_vector_subcore>, window_params = [{transform_indices = #map}, {transform_indices = #map}, {transform_indices = #map}, {transform_indices = #map}, {transform_indices = #map}, {transform_indices = #map}, {transform_indices = #map}]} {
    %mul3A = arith.constant 2 : i32
    %mul3A_0 = arith.muli %arg1, %mul3A : i32
    %add3A = arith.addi %mul3A_0, %arg0 : i32
    %sub3A = arith.constant 2500 : i32
    %sub3A_1 = arith.subi %sub3A, %add3A : i32
    %add3A_2 = arith.constant 32 : i32
    %add3A_3 = arith.addi %sub3A_1, %add3A_2 : i32
    %sub3A_4 = arith.constant 1 : i32
    %sub3A_5 = arith.subi %add3A_3, %sub3A_4 : i32
    %jit3A = arith.constant 32 : i32
    %div3A = arith.divsi %sub3A_5, %jit3A : i32
    %sign3A = arith.constant 0 : i32
    %sign3A_6 = arith.cmpi sgt, %sub3A_5, %sign3A : i32
    %sign3A_7 = arith.extui %sign3A_6 : i1 to i32
    %sign3A_8 = arith.constant 0 : i32
    %sign3A_9 = arith.cmpi slt, %sub3A_5, %sign3A_8 : i32
    %sign3A_10 = arith.extui %sign3A_9 : i1 to i32
    %sign3A_11 = arith.subi %sign3A_7, %sign3A_10 : i32
    %sign3A_12 = arith.constant 0 : i32
    %sign3A_13 = arith.cmpi sgt, %jit3A, %sign3A_12 : i32
    %sign3A_14 = arith.extui %sign3A_13 : i1 to i32
    %sign3A_15 = arith.constant 0 : i32
    %sign3A_16 = arith.cmpi slt, %jit3A, %sign3A_15 : i32
    %sign3A_17 = arith.extui %sign3A_16 : i1 to i32
    %sign3A_18 = arith.subi %sign3A_14, %sign3A_17 : i32
    %ne3A = arith.cmpi ne, %sign3A_11, %sign3A_18 : i32
    %rem3A = arith.remsi %sub3A_5, %jit3A : i32
    %ne3A_19 = arith.constant 0 : i32
    %ne3A_20 = arith.cmpi ne, %rem3A, %ne3A_19 : i32
    %and3A = arith.andi %ne3A, %ne3A_20 : i1
    %sub3A_21 = arith.constant 1 : i32
    %sub3A_22 = arith.subi %div3A, %sub3A_21 : i32
    %select_n3A = arith.select %and3A, %sub3A_22, %div3A : i32
    %while3A = arith.constant 0 : i32
    %while3A_23 = arith.constant 0 : i32
    %while3A_24 = arith.subi %select_n3A, %while3A_23 : i32
    %while3A_25 = arith.addi %while3A_23, %while3A_24 : i32
    %while3A_26 = arith.constant 1 : i32
    %while3A_27 = arith.divsi %while3A_24, %while3A_26 : i32
    %while3A_28 = arith.muli %while3A_27, %while3A_26 : i32
    %while3A_29 = arith.addi %while3A_23, %while3A_28 : i32
    %while3A_30 = arith.constant 1 : i32
    scf.for %while3A_32 = %while3A_23 to %while3A_29 step %while3A_30  : i32 {
      %mul3A_33 = arith.constant 32 : i32
      %mul3A_34 = arith.muli %while3A_32, %mul3A_33 : i32
      %add3A_35 = arith.addi %add3A, %mul3A_34 : i32
      %mul3A_36 = arith.constant 128 : i32
      %mul3A_37 = arith.muli %add3A_35, %mul3A_36 : i32
      "tpu.region"() ({
        %run_scoped3A = tpu.sem_alloc : memref<!tpu.dma_semaphore, #tpu.memory_space<semaphore_mem>>
        %dma_start3A_97 = arith.constant 0 : i32
        %dma_start3A_98 = tpu.memref_slice %arg2[%add3A_35, %dma_start3A_97] : memref<2500x128xi32, #tpu.memory_space<hbm>> -> memref<1x128xi32, #tpu.memory_space<hbm>>
        %dma_start3A_99 = arith.constant 0 : i32
        %dma_start3A_100 = tpu.memref_slice %arg2[%add3A_35, %dma_start3A_99] : memref<2500x128xi32, #tpu.memory_space<hbm>> -> memref<1x128xi32, #tpu.memory_space<hbm>>
        tpu.enqueue_dma source(%dma_start3A_100 : memref<1x128xi32, #tpu.memory_space<hbm>>) target(%arg9 : memref<1x128xi32, #tpu.memory_space<vmem>>) target_semaphore(%run_scoped3A : memref<!tpu.dma_semaphore, #tpu.memory_space<semaphore_mem>>)
        %dma_wait3A_101 = arith.constant 0 : i32
        %dma_wait3A_102 = tpu.memref_slice %arg2[%add3A_35, %dma_wait3A_101] : memref<2500x128xi32, #tpu.memory_space<hbm>> -> memref<1x128xi32, #tpu.memory_space<hbm>>
        %dma_wait3A_103 = arith.constant 0 : i32
        %dma_wait3A_104 = tpu.memref_slice %arg2[%add3A_35, %dma_wait3A_103] : memref<2500x128xi32, #tpu.memory_space<hbm>> -> memref<1x128xi32, #tpu.memory_space<hbm>>
        tpu.wait_dma2 semaphore(%run_scoped3A : memref<!tpu.dma_semaphore, #tpu.memory_space<semaphore_mem>>) src(%dma_wait3A_104 : memref<1x128xi32, #tpu.memory_space<hbm>>) dst(%arg9 : memref<1x128xi32, #tpu.memory_space<vmem>>)
        tpu.yield
      }) : () -> ()
      "tpu.region"() ({
        %run_scoped3A = tpu.sem_alloc : memref<!tpu.dma_semaphore, #tpu.memory_space<semaphore_mem>>
        %dma_start3A_97 = arith.constant 0 : i32
        %dma_start3A_98 = tpu.memref_slice %arg3[%add3A_35, %dma_start3A_97] : memref<2500x128xi32, #tpu.memory_space<hbm>> -> memref<1x128xi32, #tpu.memory_space<hbm>>
        %dma_start3A_99 = arith.constant 0 : i32
        %dma_start3A_100 = tpu.memref_slice %arg3[%add3A_35, %dma_start3A_99] : memref<2500x128xi32, #tpu.memory_space<hbm>> -> memref<1x128xi32, #tpu.memory_space<hbm>>
        tpu.enqueue_dma source(%dma_start3A_100 : memref<1x128xi32, #tpu.memory_space<hbm>>) target(%arg10 : memref<1x128xi32, #tpu.memory_space<vmem>>) target_semaphore(%run_scoped3A : memref<!tpu.dma_semaphore, #tpu.memory_space<semaphore_mem>>)
        %dma_wait3A_101 = arith.constant 0 : i32
        %dma_wait3A_102 = tpu.memref_slice %arg3[%add3A_35, %dma_wait3A_101] : memref<2500x128xi32, #tpu.memory_space<hbm>> -> memref<1x128xi32, #tpu.memory_space<hbm>>
        %dma_wait3A_103 = arith.constant 0 : i32
        %dma_wait3A_104 = tpu.memref_slice %arg3[%add3A_35, %dma_wait3A_103] : memref<2500x128xi32, #tpu.memory_space<hbm>> -> memref<1x128xi32, #tpu.memory_space<hbm>>
        tpu.wait_dma2 semaphore(%run_scoped3A : memref<!tpu.dma_semaphore, #tpu.memory_space<semaphore_mem>>) src(%dma_wait3A_104 : memref<1x128xi32, #tpu.memory_space<hbm>>) dst(%arg10 : memref<1x128xi32, #tpu.memory_space<vmem>>)
        tpu.yield
      }) : () -> ()
      %dma_start3A = arith.constant 0 : i32
      %dma_start3A_38 = arith.constant 0 : i32
      %dma_start3A_39 = tpu.memref_slice %arg9[%dma_start3A, %dma_start3A_38] : memref<1x128xi32, #tpu.memory_space<vmem>> -> memref<1x128xi32, #tpu.memory_space<vmem>>
      %dma_start3A_40 = tpu.memref_squeeze %dma_start3A_39 : memref<1x128xi32, #tpu.memory_space<vmem>> -> memref<128xi32, #tpu.memory_space<vmem>>
      %dma_start3A_41 = arith.constant 0 : i32
      %dma_start3A_42 = arith.constant 0 : i32
      %dma_start3A_43 = tpu.memref_slice %arg4[%dma_start3A_41, %dma_start3A_42] : memref<10000x64xf32, #tpu.memory_space<hbm>> -> memref<10000x64xf32, #tpu.memory_space<hbm>>
      tpu.enqueue_indirect_dma source(%dma_start3A_43 : memref<10000x64xf32, #tpu.memory_space<hbm>>) target(%arg11 : memref<128x64xf32, #tpu.memory_space<vmem>>) offsets(%dma_start3A_40 : memref<128xi32, #tpu.memory_space<vmem>>) semaphore(%arg15 : memref<!tpu.dma_semaphore, #tpu.memory_space<semaphore_mem>>)
      %dma_start3A_44 = arith.constant 0 : i32
      %dma_start3A_45 = arith.constant 0 : i32
      %dma_start3A_46 = tpu.memref_slice %arg10[%dma_start3A_44, %dma_start3A_45] : memref<1x128xi32, #tpu.memory_space<vmem>> -> memref<1x128xi32, #tpu.memory_space<vmem>>
      %dma_start3A_47 = tpu.memref_squeeze %dma_start3A_46 : memref<1x128xi32, #tpu.memory_space<vmem>> -> memref<128xi32, #tpu.memory_space<vmem>>
      %dma_start3A_48 = arith.constant 0 : i32
      %dma_start3A_49 = arith.constant 0 : i32
      %dma_start3A_50 = tpu.memref_slice %arg5[%dma_start3A_48, %dma_start3A_49] : memref<10000x64xf32, #tpu.memory_space<hbm>> -> memref<10000x64xf32, #tpu.memory_space<hbm>>
      tpu.enqueue_indirect_dma source(%dma_start3A_50 : memref<10000x64xf32, #tpu.memory_space<hbm>>) target(%arg12 : memref<128x64xf32, #tpu.memory_space<vmem>>) offsets(%dma_start3A_47 : memref<128xi32, #tpu.memory_space<vmem>>) semaphore(%arg16 : memref<!tpu.dma_semaphore, #tpu.memory_space<semaphore_mem>>)
      %dma_start3A_51 = arith.constant 0 : i32
      %dma_start3A_52 = arith.constant 0 : i32
      %dma_start3A_53 = tpu.memref_slice %arg9[%dma_start3A_51, %dma_start3A_52] : memref<1x128xi32, #tpu.memory_space<vmem>> -> memref<1x128xi32, #tpu.memory_space<vmem>>
      %dma_start3A_54 = tpu.memref_squeeze %dma_start3A_53 : memref<1x128xi32, #tpu.memory_space<vmem>> -> memref<128xi32, #tpu.memory_space<vmem>>
      %dma_start3A_55 = arith.constant 0 : i32
      %dma_start3A_56 = arith.constant 0 : i32
      %dma_start3A_57 = tpu.memref_slice %arg6[%dma_start3A_55, %dma_start3A_56] : memref<10000x16xf32, #tpu.memory_space<hbm>> -> memref<10000x16xf32, #tpu.memory_space<hbm>>
      tpu.enqueue_indirect_dma source(%dma_start3A_57 : memref<10000x16xf32, #tpu.memory_space<hbm>>) target(%arg13 : memref<128x16xf32, #tpu.memory_space<vmem>>) offsets(%dma_start3A_54 : memref<128xi32, #tpu.memory_space<vmem>>) semaphore(%arg17 : memref<!tpu.dma_semaphore, #tpu.memory_space<semaphore_mem>>)
      %dma_start3A_58 = arith.constant 0 : i32
      %dma_start3A_59 = arith.constant 0 : i32
      %dma_start3A_60 = tpu.memref_slice %arg10[%dma_start3A_58, %dma_start3A_59] : memref<1x128xi32, #tpu.memory_space<vmem>> -> memref<1x128xi32, #tpu.memory_space<vmem>>
      %dma_start3A_61 = tpu.memref_squeeze %dma_start3A_60 : memref<1x128xi32, #tpu.memory_space<vmem>> -> memref<128xi32, #tpu.memory_space<vmem>>
      %dma_start3A_62 = arith.constant 0 : i32
      %dma_start3A_63 = arith.constant 0 : i32
      %dma_start3A_64 = tpu.memref_slice %arg6[%dma_start3A_62, %dma_start3A_63] : memref<10000x16xf32, #tpu.memory_space<hbm>> -> memref<10000x16xf32, #tpu.memory_space<hbm>>
      tpu.enqueue_indirect_dma source(%dma_start3A_64 : memref<10000x16xf32, #tpu.memory_space<hbm>>) target(%arg14 : memref<128x16xf32, #tpu.memory_space<vmem>>) offsets(%dma_start3A_61 : memref<128xi32, #tpu.memory_space<vmem>>) semaphore(%arg18 : memref<!tpu.dma_semaphore, #tpu.memory_space<semaphore_mem>>)
      %dma_wait3A = arith.constant 0 : i32
      %dma_wait3A_65 = arith.constant 0 : i32
      %dma_wait3A_66 = tpu.memref_slice %arg9[%dma_wait3A, %dma_wait3A_65] : memref<1x128xi32, #tpu.memory_space<vmem>> -> memref<1x128xi32, #tpu.memory_space<vmem>>
      %dma_wait3A_67 = tpu.memref_squeeze %dma_wait3A_66 : memref<1x128xi32, #tpu.memory_space<vmem>> -> memref<128xi32, #tpu.memory_space<vmem>>
      %dma_wait3A_68 = arith.constant 0 : i32
      %dma_wait3A_69 = arith.constant 0 : i32
      %dma_wait3A_70 = tpu.memref_slice %arg4[%dma_wait3A_68, %dma_wait3A_69] : memref<10000x64xf32, #tpu.memory_space<hbm>> -> memref<10000x64xf32, #tpu.memory_space<hbm>>
      tpu.wait_indirect_dma semaphore(%arg15 : memref<!tpu.dma_semaphore, #tpu.memory_space<semaphore_mem>>) src(%dma_wait3A_70 : memref<10000x64xf32, #tpu.memory_space<hbm>>) dst(%arg11 : memref<128x64xf32, #tpu.memory_space<vmem>>)
      %dma_wait3A_71 = arith.constant 0 : i32
      %dma_wait3A_72 = arith.constant 0 : i32
      %dma_wait3A_73 = tpu.memref_slice %arg10[%dma_wait3A_71, %dma_wait3A_72] : memref<1x128xi32, #tpu.memory_space<vmem>> -> memref<1x128xi32, #tpu.memory_space<vmem>>
      %dma_wait3A_74 = tpu.memref_squeeze %dma_wait3A_73 : memref<1x128xi32, #tpu.memory_space<vmem>> -> memref<128xi32, #tpu.memory_space<vmem>>
      %dma_wait3A_75 = arith.constant 0 : i32
      %dma_wait3A_76 = arith.constant 0 : i32
      %dma_wait3A_77 = tpu.memref_slice %arg5[%dma_wait3A_75, %dma_wait3A_76] : memref<10000x64xf32, #tpu.memory_space<hbm>> -> memref<10000x64xf32, #tpu.memory_space<hbm>>
      tpu.wait_indirect_dma semaphore(%arg16 : memref<!tpu.dma_semaphore, #tpu.memory_space<semaphore_mem>>) src(%dma_wait3A_77 : memref<10000x64xf32, #tpu.memory_space<hbm>>) dst(%arg12 : memref<128x64xf32, #tpu.memory_space<vmem>>)
      %dma_wait3A_78 = arith.constant 0 : i32
      %dma_wait3A_79 = arith.constant 0 : i32
      %dma_wait3A_80 = tpu.memref_slice %arg9[%dma_wait3A_78, %dma_wait3A_79] : memref<1x128xi32, #tpu.memory_space<vmem>> -> memref<1x128xi32, #tpu.memory_space<vmem>>
      %dma_wait3A_81 = tpu.memref_squeeze %dma_wait3A_80 : memref<1x128xi32, #tpu.memory_space<vmem>> -> memref<128xi32, #tpu.memory_space<vmem>>
      %dma_wait3A_82 = arith.constant 0 : i32
      %dma_wait3A_83 = arith.constant 0 : i32
      %dma_wait3A_84 = tpu.memref_slice %arg6[%dma_wait3A_82, %dma_wait3A_83] : memref<10000x16xf32, #tpu.memory_space<hbm>> -> memref<10000x16xf32, #tpu.memory_space<hbm>>
      tpu.wait_indirect_dma semaphore(%arg17 : memref<!tpu.dma_semaphore, #tpu.memory_space<semaphore_mem>>) src(%dma_wait3A_84 : memref<10000x16xf32, #tpu.memory_space<hbm>>) dst(%arg13 : memref<128x16xf32, #tpu.memory_space<vmem>>)
      %dma_wait3A_85 = arith.constant 0 : i32
      %dma_wait3A_86 = arith.constant 0 : i32
      %dma_wait3A_87 = tpu.memref_slice %arg10[%dma_wait3A_85, %dma_wait3A_86] : memref<1x128xi32, #tpu.memory_space<vmem>> -> memref<1x128xi32, #tpu.memory_space<vmem>>
      %dma_wait3A_88 = tpu.memref_squeeze %dma_wait3A_87 : memref<1x128xi32, #tpu.memory_space<vmem>> -> memref<128xi32, #tpu.memory_space<vmem>>
      %dma_wait3A_89 = arith.constant 0 : i32
      %dma_wait3A_90 = arith.constant 0 : i32
      %dma_wait3A_91 = tpu.memref_slice %arg6[%dma_wait3A_89, %dma_wait3A_90] : memref<10000x16xf32, #tpu.memory_space<hbm>> -> memref<10000x16xf32, #tpu.memory_space<hbm>>
      tpu.wait_indirect_dma semaphore(%arg18 : memref<!tpu.dma_semaphore, #tpu.memory_space<semaphore_mem>>) src(%dma_wait3A_91 : memref<10000x16xf32, #tpu.memory_space<hbm>>) dst(%arg14 : memref<128x16xf32, #tpu.memory_space<vmem>>)
      %scan3A = arith.constant 0 : i32
      %scan3A_92 = arith.constant 0 : i32
      %scan3A_93 = arith.constant 128 : i32
      %scan3A_94 = arith.addi %scan3A_92, %scan3A_93 : i32
      %scan3A_95 = arith.constant 1 : i32
      scf.for %scan3A_97 = %scan3A_92 to %scan3A_94 step %scan3A_95  : i32 {
        %get3A = arith.index_cast %scan3A_97 : i32 to index
        %get3A_98 = arith.constant 0 : index
        %get3A_99 = tpu.vector_load %arg11[%get3A, %get3A_98] {strides = array<i32>} : memref<128x64xf32, #tpu.memory_space<vmem>>, vector<1x16xf32>,
        %get3A_100 = vector.shape_cast %get3A_99 : vector<1x16xf32> to vector<16xf32>
        %get3A_101 = arith.index_cast %scan3A_97 : i32 to index
        %get3A_102 = arith.constant 0 : index
        %get3A_103 = tpu.vector_load %arg12[%get3A_101, %get3A_102] {strides = array<i32>} : memref<128x64xf32, #tpu.memory_space<vmem>>, vector<1x16xf32>,
        %get3A_104 = vector.shape_cast %get3A_103 : vector<1x16xf32> to vector<16xf32>
        %add3A_105 = arith.addf %get3A_100, %get3A_104 : vector<16xf32>
        %swap3A = arith.index_cast %scan3A_97 : i32 to index
        %swap3A_106 = arith.constant 0 : index
        %swap3A_107 = tpu.vector_load %arg11[%swap3A, %swap3A_106] {strides = array<i32>} : memref<128x64xf32, #tpu.memory_space<vmem>>, vector<1x16xf32>,
        %swap3A_108 = vector.shape_cast %swap3A_107 : vector<1x16xf32> to vector<16xf32>
        %swap3A_109 = vector.shape_cast %add3A_105 : vector<16xf32> to vector<1x16xf32>
        tpu.vector_store %arg11[%swap3A, %swap3A_106], %swap3A_109 {strides = array<i32>} : memref<128x64xf32, #tpu.memory_space<vmem>>, vector<1x16xf32>,
        %get3A_110 = arith.index_cast %scan3A_97 : i32 to index
        %get3A_111 = arith.constant 16 : index
        %get3A_112 = tpu.vector_load %arg11[%get3A_110, %get3A_111] {strides = array<i32>} : memref<128x64xf32, #tpu.memory_space<vmem>>, vector<1x16xf32>,
        %get3A_113 = vector.shape_cast %get3A_112 : vector<1x16xf32> to vector<16xf32>
        %get3A_114 = arith.index_cast %scan3A_97 : i32 to index
        %get3A_115 = arith.constant 16 : index
        %get3A_116 = tpu.vector_load %arg12[%get3A_114, %get3A_115] {strides = array<i32>} : memref<128x64xf32, #tpu.memory_space<vmem>>, vector<1x16xf32>,
        %get3A_117 = vector.shape_cast %get3A_116 : vector<1x16xf32> to vector<16xf32>
        %add3A_118 = arith.addf %get3A_113, %get3A_117 : vector<16xf32>
        %swap3A_119 = arith.index_cast %scan3A_97 : i32 to index
        %swap3A_120 = arith.constant 16 : index
        %swap3A_121 = tpu.vector_load %arg11[%swap3A_119, %swap3A_120] {strides = array<i32>} : memref<128x64xf32, #tpu.memory_space<vmem>>, vector<1x16xf32>,
        %swap3A_122 = vector.shape_cast %swap3A_121 : vector<1x16xf32> to vector<16xf32>
        %swap3A_123 = vector.shape_cast %add3A_118 : vector<16xf32> to vector<1x16xf32>
        tpu.vector_store %arg11[%swap3A_119, %swap3A_120], %swap3A_123 {strides = array<i32>} : memref<128x64xf32, #tpu.memory_space<vmem>>, vector<1x16xf32>,
        %get3A_124 = arith.index_cast %scan3A_97 : i32 to index
        %get3A_125 = arith.constant 32 : index
        %get3A_126 = tpu.vector_load %arg11[%get3A_124, %get3A_125] {strides = array<i32>} : memref<128x64xf32, #tpu.memory_space<vmem>>, vector<1x16xf32>,
        %get3A_127 = vector.shape_cast %get3A_126 : vector<1x16xf32> to vector<16xf32>
        %get3A_128 = arith.index_cast %scan3A_97 : i32 to index
        %get3A_129 = arith.constant 32 : index
        %get3A_130 = tpu.vector_load %arg12[%get3A_128, %get3A_129] {strides = array<i32>} : memref<128x64xf32, #tpu.memory_space<vmem>>, vector<1x16xf32>,
        %get3A_131 = vector.shape_cast %get3A_130 : vector<1x16xf32> to vector<16xf32>
        %add3A_132 = arith.addf %get3A_127, %get3A_131 : vector<16xf32>
        %swap3A_133 = arith.index_cast %scan3A_97 : i32 to index
        %swap3A_134 = arith.constant 32 : index
        %swap3A_135 = tpu.vector_load %arg11[%swap3A_133, %swap3A_134] {strides = array<i32>} : memref<128x64xf32, #tpu.memory_space<vmem>>, vector<1x16xf32>,
        %swap3A_136 = vector.shape_cast %swap3A_135 : vector<1x16xf32> to vector<16xf32>
        %swap3A_137 = vector.shape_cast %add3A_132 : vector<16xf32> to vector<1x16xf32>
        tpu.vector_store %arg11[%swap3A_133, %swap3A_134], %swap3A_137 {strides = array<i32>} : memref<128x64xf32, #tpu.memory_space<vmem>>, vector<1x16xf32>,
        %get3A_138 = arith.index_cast %scan3A_97 : i32 to index
        %get3A_139 = arith.constant 48 : index
        %get3A_140 = tpu.vector_load %arg11[%get3A_138, %get3A_139] {strides = array<i32>} : memref<128x64xf32, #tpu.memory_space<vmem>>, vector<1x16xf32>,
        %get3A_141 = vector.shape_cast %get3A_140 : vector<1x16xf32> to vector<16xf32>
        %get3A_142 = arith.index_cast %scan3A_97 : i32 to index
        %get3A_143 = arith.constant 48 : index
        %get3A_144 = tpu.vector_load %arg12[%get3A_142, %get3A_143] {strides = array<i32>} : memref<128x64xf32, #tpu.memory_space<vmem>>, vector<1x16xf32>,
        %get3A_145 = vector.shape_cast %get3A_144 : vector<1x16xf32> to vector<16xf32>
        %add3A_146 = arith.addf %get3A_141, %get3A_145 : vector<16xf32>
        %swap3A_147 = arith.index_cast %scan3A_97 : i32 to index
        %swap3A_148 = arith.constant 48 : index
        %swap3A_149 = tpu.vector_load %arg11[%swap3A_147, %swap3A_148] {strides = array<i32>} : memref<128x64xf32, #tpu.memory_space<vmem>>, vector<1x16xf32>,
        %swap3A_150 = vector.shape_cast %swap3A_149 : vector<1x16xf32> to vector<16xf32>
        %swap3A_151 = vector.shape_cast %add3A_146 : vector<16xf32> to vector<1x16xf32>
        tpu.vector_store %arg11[%swap3A_147, %swap3A_148], %swap3A_151 {strides = array<i32>} : memref<128x64xf32, #tpu.memory_space<vmem>>, vector<1x16xf32>,
        %get3A_152 = arith.index_cast %scan3A_97 : i32 to index
        %get3A_153 = arith.constant 0 : index
        %get3A_154 = tpu.vector_load %arg13[%get3A_152, %get3A_153] {strides = array<i32>} : memref<128x16xf32, #tpu.memory_space<vmem>>, vector<1x16xf32>,
        %get3A_155 = vector.shape_cast %get3A_154 : vector<1x16xf32> to vector<16xf32>
        %get3A_156 = arith.index_cast %scan3A_97 : i32 to index
        %get3A_157 = arith.constant 0 : index
        %get3A_158 = tpu.vector_load %arg14[%get3A_156, %get3A_157] {strides = array<i32>} : memref<128x16xf32, #tpu.memory_space<vmem>>, vector<1x16xf32>,
        %get3A_159 = vector.shape_cast %get3A_158 : vector<1x16xf32> to vector<16xf32>
        %sub3A_160 = arith.subf %get3A_155, %get3A_159 : vector<16xf32>
        %swap3A_161 = arith.index_cast %scan3A_97 : i32 to index
        %swap3A_162 = arith.constant 0 : index
        %swap3A_163 = tpu.vector_load %arg13[%swap3A_161, %swap3A_162] {strides = array<i32>} : memref<128x16xf32, #tpu.memory_space<vmem>>, vector<1x16xf32>,
        %swap3A_164 = vector.shape_cast %swap3A_163 : vector<1x16xf32> to vector<16xf32>
        %swap3A_165 = vector.shape_cast %sub3A_160 : vector<16xf32> to vector<1x16xf32>
        tpu.vector_store %arg13[%swap3A_161, %swap3A_162], %swap3A_165 {strides = array<i32>} : memref<128x16xf32, #tpu.memory_space<vmem>>, vector<1x16xf32>,
      }
      %scan3A_96 = arith.constant 128 : i32
      "tpu.region"() ({
        %run_scoped3A = tpu.sem_alloc : memref<!tpu.dma_semaphore, #tpu.memory_space<semaphore_mem>>
        %dma_start3A_97 = arith.constant 0 : i32
        %dma_start3A_98 = tpu.memref_slice %arg7[%mul3A_37, %dma_start3A_97] : memref<320000x64xf32, #tpu.memory_space<hbm>> -> memref<128x64xf32, #tpu.memory_space<hbm>>
        %dma_start3A_99 = arith.constant 0 : i32
        %dma_start3A_100 = tpu.memref_slice %arg7[%mul3A_37, %dma_start3A_99] : memref<320000x64xf32, #tpu.memory_space<hbm>> -> memref<128x64xf32, #tpu.memory_space<hbm>>
        tpu.enqueue_dma source(%arg11 : memref<128x64xf32, #tpu.memory_space<vmem>>) target(%dma_start3A_100 : memref<128x64xf32, #tpu.memory_space<hbm>>) target_semaphore(%run_scoped3A : memref<!tpu.dma_semaphore, #tpu.memory_space<semaphore_mem>>)
        %dma_wait3A_101 = arith.constant 0 : i32
        %dma_wait3A_102 = tpu.memref_slice %arg7[%mul3A_37, %dma_wait3A_101] : memref<320000x64xf32, #tpu.memory_space<hbm>> -> memref<128x64xf32, #tpu.memory_space<hbm>>
        %dma_wait3A_103 = arith.constant 0 : i32
        %dma_wait3A_104 = tpu.memref_slice %arg7[%mul3A_37, %dma_wait3A_103] : memref<320000x64xf32, #tpu.memory_space<hbm>> -> memref<128x64xf32, #tpu.memory_space<hbm>>
        tpu.wait_dma2 semaphore(%run_scoped3A : memref<!tpu.dma_semaphore, #tpu.memory_space<semaphore_mem>>) src(%arg11 : memref<128x64xf32, #tpu.memory_space<vmem>>) dst(%dma_wait3A_104 : memref<128x64xf32, #tpu.memory_space<hbm>>)
        tpu.yield
      }) : () -> ()
      "tpu.region"() ({
        %run_scoped3A = tpu.sem_alloc : memref<!tpu.dma_semaphore, #tpu.memory_space<semaphore_mem>>
        %dma_start3A_97 = arith.constant 0 : i32
        %dma_start3A_98 = tpu.memref_slice %arg8[%mul3A_37, %dma_start3A_97] : memref<320000x16xf32, #tpu.memory_space<hbm>> -> memref<128x16xf32, #tpu.memory_space<hbm>>
        %dma_start3A_99 = arith.constant 0 : i32
        %dma_start3A_100 = tpu.memref_slice %arg8[%mul3A_37, %dma_start3A_99] : memref<320000x16xf32, #tpu.memory_space<hbm>> -> memref<128x16xf32, #tpu.memory_space<hbm>>
        tpu.enqueue_dma source(%arg13 : memref<128x16xf32, #tpu.memory_space<vmem>>) target(%dma_start3A_100 : memref<128x16xf32, #tpu.memory_space<hbm>>) target_semaphore(%run_scoped3A : memref<!tpu.dma_semaphore, #tpu.memory_space<semaphore_mem>>)
        %dma_wait3A_101 = arith.constant 0 : i32
        %dma_wait3A_102 = tpu.memref_slice %arg8[%mul3A_37, %dma_wait3A_101] : memref<320000x16xf32, #tpu.memory_space<hbm>> -> memref<128x16xf32, #tpu.memory_space<hbm>>
        %dma_wait3A_103 = arith.constant 0 : i32
        %dma_wait3A_104 = tpu.memref_slice %arg8[%mul3A_37, %dma_wait3A_103] : memref<320000x16xf32, #tpu.memory_space<hbm>> -> memref<128x16xf32, #tpu.memory_space<hbm>>
        tpu.wait_dma2 semaphore(%run_scoped3A : memref<!tpu.dma_semaphore, #tpu.memory_space<semaphore_mem>>) src(%arg13 : memref<128x16xf32, #tpu.memory_space<vmem>>) dst(%dma_wait3A_104 : memref<128x16xf32, #tpu.memory_space<hbm>>)
        tpu.yield
      }) : () -> ()
    }
    %while3A_31 = arith.constant 1 : i32
    scf.for %while3A_32 = %while3A_29 to %while3A_25 step %while3A_31  : i32 {
      %mul3A_33 = arith.constant 32 : i32
      %mul3A_34 = arith.muli %while3A_32, %mul3A_33 : i32
      %add3A_35 = arith.addi %add3A, %mul3A_34 : i32
      %mul3A_36 = arith.constant 128 : i32
      %mul3A_37 = arith.muli %add3A_35, %mul3A_36 : i32
      "tpu.region"() ({
        %run_scoped3A = tpu.sem_alloc : memref<!tpu.dma_semaphore, #tpu.memory_space<semaphore_mem>>
        %dma_start3A_97 = arith.constant 0 : i32
        %dma_start3A_98 = tpu.memref_slice %arg2[%add3A_35, %dma_start3A_97] : memref<2500x128xi32, #tpu.memory_space<hbm>> -> memref<1x128xi32, #tpu.memory_space<hbm>>
        %dma_start3A_99 = arith.constant 0 : i32
        %dma_start3A_100 = tpu.memref_slice %arg2[%add3A_35, %dma_start3A_99] : memref<2500x128xi32, #tpu.memory_space<hbm>> -> memref<1x128xi32, #tpu.memory_space<hbm>>
        tpu.enqueue_dma source(%dma_start3A_100 : memref<1x128xi32, #tpu.memory_space<hbm>>) target(%arg9 : memref<1x128xi32, #tpu.memory_space<vmem>>) target_semaphore(%run_scoped3A : memref<!tpu.dma_semaphore, #tpu.memory_space<semaphore_mem>>)
        %dma_wait3A_101 = arith.constant 0 : i32
        %dma_wait3A_102 = tpu.memref_slice %arg2[%add3A_35, %dma_wait3A_101] : memref<2500x128xi32, #tpu.memory_space<hbm>> -> memref<1x128xi32, #tpu.memory_space<hbm>>
        %dma_wait3A_103 = arith.constant 0 : i32
        %dma_wait3A_104 = tpu.memref_slice %arg2[%add3A_35, %dma_wait3A_103] : memref<2500x128xi32, #tpu.memory_space<hbm>> -> memref<1x128xi32, #tpu.memory_space<hbm>>
        tpu.wait_dma2 semaphore(%run_scoped3A : memref<!tpu.dma_semaphore, #tpu.memory_space<semaphore_mem>>) src(%dma_wait3A_104 : memref<1x128xi32, #tpu.memory_space<hbm>>) dst(%arg9 : memref<1x128xi32, #tpu.memory_space<vmem>>)
        tpu.yield
      }) : () -> ()
      "tpu.region"() ({
        %run_scoped3A = tpu.sem_alloc : memref<!tpu.dma_semaphore, #tpu.memory_space<semaphore_mem>>
        %dma_start3A_97 = arith.constant 0 : i32
        %dma_start3A_98 = tpu.memref_slice %arg3[%add3A_35, %dma_start3A_97] : memref<2500x128xi32, #tpu.memory_space<hbm>> -> memref<1x128xi32, #tpu.memory_space<hbm>>
        %dma_start3A_99 = arith.constant 0 : i32
        %dma_start3A_100 = tpu.memref_slice %arg3[%add3A_35, %dma_start3A_99] : memref<2500x128xi32, #tpu.memory_space<hbm>> -> memref<1x128xi32, #tpu.memory_space<hbm>>
        tpu.enqueue_dma source(%dma_start3A_100 : memref<1x128xi32, #tpu.memory_space<hbm>>) target(%arg10 : memref<1x128xi32, #tpu.memory_space<vmem>>) target_semaphore(%run_scoped3A : memref<!tpu.dma_semaphore, #tpu.memory_space<semaphore_mem>>)
        %dma_wait3A_101 = arith.constant 0 : i32
        %dma_wait3A_102 = tpu.memref_slice %arg3[%add3A_35, %dma_wait3A_101] : memref<2500x128xi32, #tpu.memory_space<hbm>> -> memref<1x128xi32, #tpu.memory_space<hbm>>
        %dma_wait3A_103 = arith.constant 0 : i32
        %dma_wait3A_104 = tpu.memref_slice %arg3[%add3A_35, %dma_wait3A_103] : memref<2500x128xi32, #tpu.memory_space<hbm>> -> memref<1x128xi32, #tpu.memory_space<hbm>>
        tpu.wait_dma2 semaphore(%run_scoped3A : memref<!tpu.dma_semaphore, #tpu.memory_space<semaphore_mem>>) src(%dma_wait3A_104 : memref<1x128xi32, #tpu.memory_space<hbm>>) dst(%arg10 : memref<1x128xi32, #tpu.memory_space<vmem>>)
        tpu.yield
      }) : () -> ()
      %dma_start3A = arith.constant 0 : i32
      %dma_start3A_38 = arith.constant 0 : i32
      %dma_start3A_39 = tpu.memref_slice %arg9[%dma_start3A, %dma_start3A_38] : memref<1x128xi32, #tpu.memory_space<vmem>> -> memref<1x128xi32, #tpu.memory_space<vmem>>
      %dma_start3A_40 = tpu.memref_squeeze %dma_start3A_39 : memref<1x128xi32, #tpu.memory_space<vmem>> -> memref<128xi32, #tpu.memory_space<vmem>>
      %dma_start3A_41 = arith.constant 0 : i32
      %dma_start3A_42 = arith.constant 0 : i32
      %dma_start3A_43 = tpu.memref_slice %arg4[%dma_start3A_41, %dma_start3A_42] : memref<10000x64xf32, #tpu.memory_space<hbm>> -> memref<10000x64xf32, #tpu.memory_space<hbm>>
      tpu.enqueue_indirect_dma source(%dma_start3A_43 : memref<10000x64xf32, #tpu.memory_space<hbm>>) target(%arg11 : memref<128x64xf32, #tpu.memory_space<vmem>>) offsets(%dma_start3A_40 : memref<128xi32, #tpu.memory_space<vmem>>) semaphore(%arg15 : memref<!tpu.dma_semaphore, #tpu.memory_space<semaphore_mem>>)
      %dma_start3A_44 = arith.constant 0 : i32
      %dma_start3A_45 = arith.constant 0 : i32
      %dma_start3A_46 = tpu.memref_slice %arg10[%dma_start3A_44, %dma_start3A_45] : memref<1x128xi32, #tpu.memory_space<vmem>> -> memref<1x128xi32, #tpu.memory_space<vmem>>
      %dma_start3A_47 = tpu.memref_squeeze %dma_start3A_46 : memref<1x128xi32, #tpu.memory_space<vmem>> -> memref<128xi32, #tpu.memory_space<vmem>>
      %dma_start3A_48 = arith.constant 0 : i32
      %dma_start3A_49 = arith.constant 0 : i32
      %dma_start3A_50 = tpu.memref_slice %arg5[%dma_start3A_48, %dma_start3A_49] : memref<10000x64xf32, #tpu.memory_space<hbm>> -> memref<10000x64xf32, #tpu.memory_space<hbm>>
      tpu.enqueue_indirect_dma source(%dma_start3A_50 : memref<10000x64xf32, #tpu.memory_space<hbm>>) target(%arg12 : memref<128x64xf32, #tpu.memory_space<vmem>>) offsets(%dma_start3A_47 : memref<128xi32, #tpu.memory_space<vmem>>) semaphore(%arg16 : memref<!tpu.dma_semaphore, #tpu.memory_space<semaphore_mem>>)
      %dma_start3A_51 = arith.constant 0 : i32
      %dma_start3A_52 = arith.constant 0 : i32
      %dma_start3A_53 = tpu.memref_slice %arg9[%dma_start3A_51, %dma_start3A_52] : memref<1x128xi32, #tpu.memory_space<vmem>> -> memref<1x128xi32, #tpu.memory_space<vmem>>
      %dma_start3A_54 = tpu.memref_squeeze %dma_start3A_53 : memref<1x128xi32, #tpu.memory_space<vmem>> -> memref<128xi32, #tpu.memory_space<vmem>>
      %dma_start3A_55 = arith.constant 0 : i32
      %dma_start3A_56 = arith.constant 0 : i32
      %dma_start3A_57 = tpu.memref_slice %arg6[%dma_start3A_55, %dma_start3A_56] : memref<10000x16xf32, #tpu.memory_space<hbm>> -> memref<10000x16xf32, #tpu.memory_space<hbm>>
      tpu.enqueue_indirect_dma source(%dma_start3A_57 : memref<10000x16xf32, #tpu.memory_space<hbm>>) target(%arg13 : memref<128x16xf32, #tpu.memory_space<vmem>>) offsets(%dma_start3A_54 : memref<128xi32, #tpu.memory_space<vmem>>) semaphore(%arg17 : memref<!tpu.dma_semaphore, #tpu.memory_space<semaphore_mem>>)
      %dma_start3A_58 = arith.constant 0 : i32
      %dma_start3A_59 = arith.constant 0 : i32
      %dma_start3A_60 = tpu.memref_slice %arg10[%dma_start3A_58, %dma_start3A_59] : memref<1x128xi32, #tpu.memory_space<vmem>> -> memref<1x128xi32, #tpu.memory_space<vmem>>
      %dma_start3A_61 = tpu.memref_squeeze %dma_start3A_60 : memref<1x128xi32, #tpu.memory_space<vmem>> -> memref<128xi32, #tpu.memory_space<vmem>>
      %dma_start3A_62 = arith.constant 0 : i32
      %dma_start3A_63 = arith.constant 0 : i32
      %dma_start3A_64 = tpu.memref_slice %arg6[%dma_start3A_62, %dma_start3A_63] : memref<10000x16xf32, #tpu.memory_space<hbm>> -> memref<10000x16xf32, #tpu.memory_space<hbm>>
      tpu.enqueue_indirect_dma source(%dma_start3A_64 : memref<10000x16xf32, #tpu.memory_space<hbm>>) target(%arg14 : memref<128x16xf32, #tpu.memory_space<vmem>>) offsets(%dma_start3A_61 : memref<128xi32, #tpu.memory_space<vmem>>) semaphore(%arg18 : memref<!tpu.dma_semaphore, #tpu.memory_space<semaphore_mem>>)
      %dma_wait3A = arith.constant 0 : i32
      %dma_wait3A_65 = arith.constant 0 : i32
      %dma_wait3A_66 = tpu.memref_slice %arg9[%dma_wait3A, %dma_wait3A_65] : memref<1x128xi32, #tpu.memory_space<vmem>> -> memref<1x128xi32, #tpu.memory_space<vmem>>
      %dma_wait3A_67 = tpu.memref_squeeze %dma_wait3A_66 : memref<1x128xi32, #tpu.memory_space<vmem>> -> memref<128xi32, #tpu.memory_space<vmem>>
      %dma_wait3A_68 = arith.constant 0 : i32
      %dma_wait3A_69 = arith.constant 0 : i32
      %dma_wait3A_70 = tpu.memref_slice %arg4[%dma_wait3A_68, %dma_wait3A_69] : memref<10000x64xf32, #tpu.memory_space<hbm>> -> memref<10000x64xf32, #tpu.memory_space<hbm>>
      tpu.wait_indirect_dma semaphore(%arg15 : memref<!tpu.dma_semaphore, #tpu.memory_space<semaphore_mem>>) src(%dma_wait3A_70 : memref<10000x64xf32, #tpu.memory_space<hbm>>) dst(%arg11 : memref<128x64xf32, #tpu.memory_space<vmem>>)
      %dma_wait3A_71 = arith.constant 0 : i32
      %dma_wait3A_72 = arith.constant 0 : i32
      %dma_wait3A_73 = tpu.memref_slice %arg10[%dma_wait3A_71, %dma_wait3A_72] : memref<1x128xi32, #tpu.memory_space<vmem>> -> memref<1x128xi32, #tpu.memory_space<vmem>>
      %dma_wait3A_74 = tpu.memref_squeeze %dma_wait3A_73 : memref<1x128xi32, #tpu.memory_space<vmem>> -> memref<128xi32, #tpu.memory_space<vmem>>
      %dma_wait3A_75 = arith.constant 0 : i32
      %dma_wait3A_76 = arith.constant 0 : i32
      %dma_wait3A_77 = tpu.memref_slice %arg5[%dma_wait3A_75, %dma_wait3A_76] : memref<10000x64xf32, #tpu.memory_space<hbm>> -> memref<10000x64xf32, #tpu.memory_space<hbm>>
      tpu.wait_indirect_dma semaphore(%arg16 : memref<!tpu.dma_semaphore, #tpu.memory_space<semaphore_mem>>) src(%dma_wait3A_77 : memref<10000x64xf32, #tpu.memory_space<hbm>>) dst(%arg12 : memref<128x64xf32, #tpu.memory_space<vmem>>)
      %dma_wait3A_78 = arith.constant 0 : i32
      %dma_wait3A_79 = arith.constant 0 : i32
      %dma_wait3A_80 = tpu.memref_slice %arg9[%dma_wait3A_78, %dma_wait3A_79] : memref<1x128xi32, #tpu.memory_space<vmem>> -> memref<1x128xi32, #tpu.memory_space<vmem>>
      %dma_wait3A_81 = tpu.memref_squeeze %dma_wait3A_80 : memref<1x128xi32, #tpu.memory_space<vmem>> -> memref<128xi32, #tpu.memory_space<vmem>>
      %dma_wait3A_82 = arith.constant 0 : i32
      %dma_wait3A_83 = arith.constant 0 : i32
      %dma_wait3A_84 = tpu.memref_slice %arg6[%dma_wait3A_82, %dma_wait3A_83] : memref<10000x16xf32, #tpu.memory_space<hbm>> -> memref<10000x16xf32, #tpu.memory_space<hbm>>
      tpu.wait_indirect_dma semaphore(%arg17 : memref<!tpu.dma_semaphore, #tpu.memory_space<semaphore_mem>>) src(%dma_wait3A_84 : memref<10000x16xf32, #tpu.memory_space<hbm>>) dst(%arg13 : memref<128x16xf32, #tpu.memory_space<vmem>>)
      %dma_wait3A_85 = arith.constant 0 : i32
      %dma_wait3A_86 = arith.constant 0 : i32
      %dma_wait3A_87 = tpu.memref_slice %arg10[%dma_wait3A_85, %dma_wait3A_86] : memref<1x128xi32, #tpu.memory_space<vmem>> -> memref<1x128xi32, #tpu.memory_space<vmem>>
      %dma_wait3A_88 = tpu.memref_squeeze %dma_wait3A_87 : memref<1x128xi32, #tpu.memory_space<vmem>> -> memref<128xi32, #tpu.memory_space<vmem>>
      %dma_wait3A_89 = arith.constant 0 : i32
      %dma_wait3A_90 = arith.constant 0 : i32
      %dma_wait3A_91 = tpu.memref_slice %arg6[%dma_wait3A_89, %dma_wait3A_90] : memref<10000x16xf32, #tpu.memory_space<hbm>> -> memref<10000x16xf32, #tpu.memory_space<hbm>>
      tpu.wait_indirect_dma semaphore(%arg18 : memref<!tpu.dma_semaphore, #tpu.memory_space<semaphore_mem>>) src(%dma_wait3A_91 : memref<10000x16xf32, #tpu.memory_space<hbm>>) dst(%arg14 : memref<128x16xf32, #tpu.memory_space<vmem>>)
      %scan3A = arith.constant 0 : i32
      %scan3A_92 = arith.constant 0 : i32
      %scan3A_93 = arith.constant 128 : i32
      %scan3A_94 = arith.addi %scan3A_92, %scan3A_93 : i32
      %scan3A_95 = arith.constant 1 : i32
      scf.for %scan3A_97 = %scan3A_92 to %scan3A_94 step %scan3A_95  : i32 {
        %get3A = arith.index_cast %scan3A_97 : i32 to index
        %get3A_98 = arith.constant 0 : index
        %get3A_99 = tpu.vector_load %arg11[%get3A, %get3A_98] {strides = array<i32>} : memref<128x64xf32, #tpu.memory_space<vmem>>, vector<1x16xf32>,
        %get3A_100 = vector.shape_cast %get3A_99 : vector<1x16xf32> to vector<16xf32>
        %get3A_101 = arith.index_cast %scan3A_97 : i32 to index
        %get3A_102 = arith.constant 0 : index
        %get3A_103 = tpu.vector_load %arg12[%get3A_101, %get3A_102] {strides = array<i32>} : memref<128x64xf32, #tpu.memory_space<vmem>>, vector<1x16xf32>,
        %get3A_104 = vector.shape_cast %get3A_103 : vector<1x16xf32> to vector<16xf32>
        %add3A_105 = arith.addf %get3A_100, %get3A_104 : vector<16xf32>
        %swap3A = arith.index_cast %scan3A_97 : i32 to index
        %swap3A_106 = arith.constant 0 : index
        %swap3A_107 = tpu.vector_load %arg11[%swap3A, %swap3A_106] {strides = array<i32>} : memref<128x64xf32, #tpu.memory_space<vmem>>, vector<1x16xf32>,
        %swap3A_108 = vector.shape_cast %swap3A_107 : vector<1x16xf32> to vector<16xf32>
        %swap3A_109 = vector.shape_cast %add3A_105 : vector<16xf32> to vector<1x16xf32>
        tpu.vector_store %arg11[%swap3A, %swap3A_106], %swap3A_109 {strides = array<i32>} : memref<128x64xf32, #tpu.memory_space<vmem>>, vector<1x16xf32>,
        %get3A_110 = arith.index_cast %scan3A_97 : i32 to index
        %get3A_111 = arith.constant 16 : index
        %get3A_112 = tpu.vector_load %arg11[%get3A_110, %get3A_111] {strides = array<i32>} : memref<128x64xf32, #tpu.memory_space<vmem>>, vector<1x16xf32>,
        %get3A_113 = vector.shape_cast %get3A_112 : vector<1x16xf32> to vector<16xf32>
        %get3A_114 = arith.index_cast %scan3A_97 : i32 to index
        %get3A_115 = arith.constant 16 : index
        %get3A_116 = tpu.vector_load %arg12[%get3A_114, %get3A_115] {strides = array<i32>} : memref<128x64xf32, #tpu.memory_space<vmem>>, vector<1x16xf32>,
        %get3A_117 = vector.shape_cast %get3A_116 : vector<1x16xf32> to vector<16xf32>
        %add3A_118 = arith.addf %get3A_113, %get3A_117 : vector<16xf32>
        %swap3A_119 = arith.index_cast %scan3A_97 : i32 to index
        %swap3A_120 = arith.constant 16 : index
        %swap3A_121 = tpu.vector_load %arg11[%swap3A_119, %swap3A_120] {strides = array<i32>} : memref<128x64xf32, #tpu.memory_space<vmem>>, vector<1x16xf32>,
        %swap3A_122 = vector.shape_cast %swap3A_121 : vector<1x16xf32> to vector<16xf32>
        %swap3A_123 = vector.shape_cast %add3A_118 : vector<16xf32> to vector<1x16xf32>
        tpu.vector_store %arg11[%swap3A_119, %swap3A_120], %swap3A_123 {strides = array<i32>} : memref<128x64xf32, #tpu.memory_space<vmem>>, vector<1x16xf32>,
        %get3A_124 = arith.index_cast %scan3A_97 : i32 to index
        %get3A_125 = arith.constant 32 : index
        %get3A_126 = tpu.vector_load %arg11[%get3A_124, %get3A_125] {strides = array<i32>} : memref<128x64xf32, #tpu.memory_space<vmem>>, vector<1x16xf32>,
        %get3A_127 = vector.shape_cast %get3A_126 : vector<1x16xf32> to vector<16xf32>
        %get3A_128 = arith.index_cast %scan3A_97 : i32 to index
        %get3A_129 = arith.constant 32 : index
        %get3A_130 = tpu.vector_load %arg12[%get3A_128, %get3A_129] {strides = array<i32>} : memref<128x64xf32, #tpu.memory_space<vmem>>, vector<1x16xf32>,
        %get3A_131 = vector.shape_cast %get3A_130 : vector<1x16xf32> to vector<16xf32>
        %add3A_132 = arith.addf %get3A_127, %get3A_131 : vector<16xf32>
        %swap3A_133 = arith.index_cast %scan3A_97 : i32 to index
        %swap3A_134 = arith.constant 32 : index
        %swap3A_135 = tpu.vector_load %arg11[%swap3A_133, %swap3A_134] {strides = array<i32>} : memref<128x64xf32, #tpu.memory_space<vmem>>, vector<1x16xf32>,
        %swap3A_136 = vector.shape_cast %swap3A_135 : vector<1x16xf32> to vector<16xf32>
        %swap3A_137 = vector.shape_cast %add3A_132 : vector<16xf32> to vector<1x16xf32>
        tpu.vector_store %arg11[%swap3A_133, %swap3A_134], %swap3A_137 {strides = array<i32>} : memref<128x64xf32, #tpu.memory_space<vmem>>, vector<1x16xf32>,
        %get3A_138 = arith.index_cast %scan3A_97 : i32 to index
        %get3A_139 = arith.constant 48 : index
        %get3A_140 = tpu.vector_load %arg11[%get3A_138, %get3A_139] {strides = array<i32>} : memref<128x64xf32, #tpu.memory_space<vmem>>, vector<1x16xf32>,
        %get3A_141 = vector.shape_cast %get3A_140 : vector<1x16xf32> to vector<16xf32>
        %get3A_142 = arith.index_cast %scan3A_97 : i32 to index
        %get3A_143 = arith.constant 48 : index
        %get3A_144 = tpu.vector_load %arg12[%get3A_142, %get3A_143] {strides = array<i32>} : memref<128x64xf32, #tpu.memory_space<vmem>>, vector<1x16xf32>,
        %get3A_145 = vector.shape_cast %get3A_144 : vector<1x16xf32> to vector<16xf32>
        %add3A_146 = arith.addf %get3A_141, %get3A_145 : vector<16xf32>
        %swap3A_147 = arith.index_cast %scan3A_97 : i32 to index
        %swap3A_148 = arith.constant 48 : index
        %swap3A_149 = tpu.vector_load %arg11[%swap3A_147, %swap3A_148] {strides = array<i32>} : memref<128x64xf32, #tpu.memory_space<vmem>>, vector<1x16xf32>,
        %swap3A_150 = vector.shape_cast %swap3A_149 : vector<1x16xf32> to vector<16xf32>
        %swap3A_151 = vector.shape_cast %add3A_146 : vector<16xf32> to vector<1x16xf32>
        tpu.vector_store %arg11[%swap3A_147, %swap3A_148], %swap3A_151 {strides = array<i32>} : memref<128x64xf32, #tpu.memory_space<vmem>>, vector<1x16xf32>,
        %get3A_152 = arith.index_cast %scan3A_97 : i32 to index
        %get3A_153 = arith.constant 0 : index
        %get3A_154 = tpu.vector_load %arg13[%get3A_152, %get3A_153] {strides = array<i32>} : memref<128x16xf32, #tpu.memory_space<vmem>>, vector<1x16xf32>,
        %get3A_155 = vector.shape_cast %get3A_154 : vector<1x16xf32> to vector<16xf32>
        %get3A_156 = arith.index_cast %scan3A_97 : i32 to index
        %get3A_157 = arith.constant 0 : index
        %get3A_158 = tpu.vector_load %arg14[%get3A_156, %get3A_157] {strides = array<i32>} : memref<128x16xf32, #tpu.memory_space<vmem>>, vector<1x16xf32>,
        %get3A_159 = vector.shape_cast %get3A_158 : vector<1x16xf32> to vector<16xf32>
        %sub3A_160 = arith.subf %get3A_155, %get3A_159 : vector<16xf32>
        %swap3A_161 = arith.index_cast %scan3A_97 : i32 to index
        %swap3A_162 = arith.constant 0 : index
        %swap3A_163 = tpu.vector_load %arg13[%swap3A_161, %swap3A_162] {strides = array<i32>} : memref<128x16xf32, #tpu.memory_space<vmem>>, vector<1x16xf32>,
        %swap3A_164 = vector.shape_cast %swap3A_163 : vector<1x16xf32> to vector<16xf32>
        %swap3A_165 = vector.shape_cast %sub3A_160 : vector<16xf32> to vector<1x16xf32>
        tpu.vector_store %arg13[%swap3A_161, %swap3A_162], %swap3A_165 {strides = array<i32>} : memref<128x16xf32, #tpu.memory_space<vmem>>, vector<1x16xf32>,
      }
      %scan3A_96 = arith.constant 128 : i32
      "tpu.region"() ({
        %run_scoped3A = tpu.sem_alloc : memref<!tpu.dma_semaphore, #tpu.memory_space<semaphore_mem>>
        %dma_start3A_97 = arith.constant 0 : i32
        %dma_start3A_98 = tpu.memref_slice %arg7[%mul3A_37, %dma_start3A_97] : memref<320000x64xf32, #tpu.memory_space<hbm>> -> memref<128x64xf32, #tpu.memory_space<hbm>>
        %dma_start3A_99 = arith.constant 0 : i32
        %dma_start3A_100 = tpu.memref_slice %arg7[%mul3A_37, %dma_start3A_99] : memref<320000x64xf32, #tpu.memory_space<hbm>> -> memref<128x64xf32, #tpu.memory_space<hbm>>
        tpu.enqueue_dma source(%arg11 : memref<128x64xf32, #tpu.memory_space<vmem>>) target(%dma_start3A_100 : memref<128x64xf32, #tpu.memory_space<hbm>>) target_semaphore(%run_scoped3A : memref<!tpu.dma_semaphore, #tpu.memory_space<semaphore_mem>>)
        %dma_wait3A_101 = arith.constant 0 : i32
        %dma_wait3A_102 = tpu.memref_slice %arg7[%mul3A_37, %dma_wait3A_101] : memref<320000x64xf32, #tpu.memory_space<hbm>> -> memref<128x64xf32, #tpu.memory_space<hbm>>
        %dma_wait3A_103 = arith.constant 0 : i32
        %dma_wait3A_104 = tpu.memref_slice %arg7[%mul3A_37, %dma_wait3A_103] : memref<320000x64xf32, #tpu.memory_space<hbm>> -> memref<128x64xf32, #tpu.memory_space<hbm>>
        tpu.wait_dma2 semaphore(%run_scoped3A : memref<!tpu.dma_semaphore, #tpu.memory_space<semaphore_mem>>) src(%arg11 : memref<128x64xf32, #tpu.memory_space<vmem>>) dst(%dma_wait3A_104 : memref<128x64xf32, #tpu.memory_space<hbm>>)
        tpu.yield
      }) : () -> ()
      "tpu.region"() ({
        %run_scoped3A = tpu.sem_alloc : memref<!tpu.dma_semaphore, #tpu.memory_space<semaphore_mem>>
        %dma_start3A_97 = arith.constant 0 : i32
        %dma_start3A_98 = tpu.memref_slice %arg8[%mul3A_37, %dma_start3A_97] : memref<320000x16xf32, #tpu.memory_space<hbm>> -> memref<128x16xf32, #tpu.memory_space<hbm>>
        %dma_start3A_99 = arith.constant 0 : i32
        %dma_start3A_100 = tpu.memref_slice %arg8[%mul3A_37, %dma_start3A_99] : memref<320000x16xf32, #tpu.memory_space<hbm>> -> memref<128x16xf32, #tpu.memory_space<hbm>>
        tpu.enqueue_dma source(%arg13 : memref<128x16xf32, #tpu.memory_space<vmem>>) target(%dma_start3A_100 : memref<128x16xf32, #tpu.memory_space<hbm>>) target_semaphore(%run_scoped3A : memref<!tpu.dma_semaphore, #tpu.memory_space<semaphore_mem>>)
        %dma_wait3A_101 = arith.constant 0 : i32
        %dma_wait3A_102 = tpu.memref_slice %arg8[%mul3A_37, %dma_wait3A_101] : memref<320000x16xf32, #tpu.memory_space<hbm>> -> memref<128x16xf32, #tpu.memory_space<hbm>>
        %dma_wait3A_103 = arith.constant 0 : i32
        %dma_wait3A_104 = tpu.memref_slice %arg8[%mul3A_37, %dma_wait3A_103] : memref<320000x16xf32, #tpu.memory_space<hbm>> -> memref<128x16xf32, #tpu.memory_space<hbm>>
        tpu.wait_dma2 semaphore(%run_scoped3A : memref<!tpu.dma_semaphore, #tpu.memory_space<semaphore_mem>>) src(%arg13 : memref<128x16xf32, #tpu.memory_space<vmem>>) dst(%dma_wait3A_104 : memref<128x16xf32, #tpu.memory_space<hbm>>)
        tpu.yield
      }) : () -> ()
    }
    return
  }
}

module attributes {stable_mosaic.version = 14 : i64} {
  func.func @_pre_body(%arg0: i32, %arg1: memref<2000x128xf32, #tpu.memory_space<vmem>>, %arg2: memref<128x64xf32, #tpu.memory_space<vmem>>, %arg3: memref<128x64xf32, #tpu.memory_space<vmem>>, %arg4: memref<128x64xf32, #tpu.memory_space<vmem>>, %arg5: memref<2000x64xf32, #tpu.memory_space<vmem>>, %arg6: memref<2000x64xf32, #tpu.memory_space<vmem>>, %arg7: memref<2000x64xf32, #tpu.memory_space<vmem>>) attributes {dimension_semantics = [#tpu.dimension_semantics<arbitrary>], iteration_bounds = array<i64: 5>, scalar_prefetch = 0 : i64, scratch_operands = 0 : i64, tpu.core_type = #tpu.core_type<tc>, window_params = [{transform_indices = @transform_0, window_bounds = array<i64: 2000, 128>}, {pipeline_mode = #tpu.pipeline_mode<synchronous>, transform_indices = @transform_1, window_bounds = array<i64: 128, 64>}, {pipeline_mode = #tpu.pipeline_mode<synchronous>, transform_indices = @transform_2, window_bounds = array<i64: 128, 64>}, {pipeline_mode = #tpu.pipeline_mode<synchronous>, transform_indices = @transform_3, window_bounds = array<i64: 128, 64>}, {transform_indices = @transform_4, window_bounds = array<i64: 2000, 64>}, {transform_indices = @transform_5, window_bounds = array<i64: 2000, 64>}, {transform_indices = @transform_6, window_bounds = array<i64: 2000, 64>}]} {
    %get3A = arith.constant 0 : index
    %get3A_0 = arith.constant 0 : index
    %get3A_1 = vector.load %arg1[%get3A, %get3A_0] : memref<2000x128xf32, #tpu.memory_space<vmem>>, vector<2000x128xf32>
    %get3A_2 = arith.constant 0 : index
    %get3A_3 = arith.constant 0 : index
    %get3A_4 = vector.load %arg2[%get3A_2, %get3A_3] : memref<128x64xf32, #tpu.memory_space<vmem>>, vector<128x64xf32>
    %dot_general3A = arith.constant dense<0.000000e+00> : vector<2000x64xf32>
    %dot_general3A_5 = tpu.matmul %get3A_1, %get3A_4, %dot_general3A {dimension_numbers = #tpu.dot_dimension_numbers<[1], [0], [0], [1], [0, 0, 1, 1], [], []>, transpose_lhs_hint = false} : vector<2000x128xf32>, vector<128x64xf32>, vector<2000x64xf32> -> vector<2000x64xf32>
    %swap3A = arith.constant 0 : index
    %swap3A_6 = arith.constant 0 : index
    %swap3A_7 = vector.load %arg5[%swap3A, %swap3A_6] : memref<2000x64xf32, #tpu.memory_space<vmem>>, vector<2000x64xf32>
    tpu.vector_store %arg5[%swap3A, %swap3A_6], %dot_general3A_5 {strides = array<i32>} : memref<2000x64xf32, #tpu.memory_space<vmem>>, vector<2000x64xf32>,
    %get3A_8 = arith.constant 0 : index
    %get3A_9 = arith.constant 0 : index
    %get3A_10 = vector.load %arg3[%get3A_8, %get3A_9] : memref<128x64xf32, #tpu.memory_space<vmem>>, vector<128x64xf32>
    %dot_general3A_11 = arith.constant dense<0.000000e+00> : vector<2000x64xf32>
    %dot_general3A_12 = tpu.matmul %get3A_1, %get3A_10, %dot_general3A_11 {dimension_numbers = #tpu.dot_dimension_numbers<[1], [0], [0], [1], [0, 0, 1, 1], [], []>, transpose_lhs_hint = false} : vector<2000x128xf32>, vector<128x64xf32>, vector<2000x64xf32> -> vector<2000x64xf32>
    %swap3A_13 = arith.constant 0 : index
    %swap3A_14 = arith.constant 0 : index
    %swap3A_15 = vector.load %arg6[%swap3A_13, %swap3A_14] : memref<2000x64xf32, #tpu.memory_space<vmem>>, vector<2000x64xf32>
    tpu.vector_store %arg6[%swap3A_13, %swap3A_14], %dot_general3A_12 {strides = array<i32>} : memref<2000x64xf32, #tpu.memory_space<vmem>>, vector<2000x64xf32>,
    %get3A_16 = arith.constant 0 : index
    %get3A_17 = arith.constant 0 : index
    %get3A_18 = vector.load %arg4[%get3A_16, %get3A_17] : memref<128x64xf32, #tpu.memory_space<vmem>>, vector<128x64xf32>
    %dot_general3A_19 = arith.constant dense<0.000000e+00> : vector<2000x64xf32>
    %dot_general3A_20 = tpu.matmul %get3A_1, %get3A_18, %dot_general3A_19 {dimension_numbers = #tpu.dot_dimension_numbers<[1], [0], [0], [1], [0, 0, 1, 1], [], []>, transpose_lhs_hint = false} : vector<2000x128xf32>, vector<128x64xf32>, vector<2000x64xf32> -> vector<2000x64xf32>
    %swap3A_21 = arith.constant 0 : index
    %swap3A_22 = arith.constant 0 : index
    %swap3A_23 = vector.load %arg7[%swap3A_21, %swap3A_22] : memref<2000x64xf32, #tpu.memory_space<vmem>>, vector<2000x64xf32>
    tpu.vector_store %arg7[%swap3A_21, %swap3A_22], %dot_general3A_20 {strides = array<i32>} : memref<2000x64xf32, #tpu.memory_space<vmem>>, vector<2000x64xf32>,
    return
  }
  func.func @transform_0(%arg0: i32) -> (i32, i32) {
    %c0_i32 = arith.constant 0 : i32
    %c0_i32_0 = arith.constant 0 : i32
    return %arg0, %c0_i32 : i32, i32
  }
  func.func @transform_1(%arg0: i32) -> (i32, i32) {
    %c0_i32 = arith.constant 0 : i32
    %c0_i32_0 = arith.constant 0 : i32
    %c0_i32_1 = arith.constant 0 : i32
    return %c0_i32, %c0_i32_0 : i32, i32
  }
  func.func @transform_2(%arg0: i32) -> (i32, i32) {
    %c0_i32 = arith.constant 0 : i32
    %c0_i32_0 = arith.constant 0 : i32
    %c0_i32_1 = arith.constant 0 : i32
    return %c0_i32, %c0_i32_0 : i32, i32
  }
  func.func @transform_3(%arg0: i32) -> (i32, i32) {
    %c0_i32 = arith.constant 0 : i32
    %c0_i32_0 = arith.constant 0 : i32
    %c0_i32_1 = arith.constant 0 : i32
    return %c0_i32, %c0_i32_0 : i32, i32
  }
  func.func @transform_4(%arg0: i32) -> (i32, i32) {
    %c0_i32 = arith.constant 0 : i32
    %c0_i32_0 = arith.constant 0 : i32
    return %arg0, %c0_i32 : i32, i32
  }
  func.func @transform_5(%arg0: i32) -> (i32, i32) {
    %c0_i32 = arith.constant 0 : i32
    %c0_i32_0 = arith.constant 0 : i32
    return %arg0, %c0_i32 : i32, i32
  }
  func.func @transform_6(%arg0: i32) -> (i32, i32) {
    %c0_i32 = arith.constant 0 : i32
    %c0_i32_0 = arith.constant 0 : i32
    return %arg0, %c0_i32 : i32, i32
  }
}

module attributes {stable_mosaic.version = 14 : i64} {
  func.func @_edge_body(%arg0: i32, %arg1: memref<4000x64xf32, #tpu.memory_space<vmem>>, %arg2: memref<4000x16xf32, #tpu.memory_space<vmem>>, %arg3: memref<4000x16xf32, #tpu.memory_space<vmem>>, %arg4: memref<16x64xf32, #tpu.memory_space<vmem>>, %arg5: memref<1x64xf32, #tpu.memory_space<vmem>>, %arg6: memref<1x64xf32, #tpu.memory_space<vmem>>, %arg7: memref<64x64xf32, #tpu.memory_space<vmem>>, %arg8: memref<1x64xf32, #tpu.memory_space<vmem>>, %arg9: memref<64x64xf32, #tpu.memory_space<vmem>>, %arg10: memref<1x64xf32, #tpu.memory_space<vmem>>, %arg11: memref<1x64xf32, #tpu.memory_space<vmem>>, %arg12: memref<4000x64xf32, #tpu.memory_space<vmem>>, %arg13: memref<4000x16xf32, #tpu.memory_space<vmem>>) attributes {dimension_semantics = [#tpu.dimension_semantics<arbitrary>], iteration_bounds = array<i64: 80>, scalar_prefetch = 0 : i64, scratch_operands = 0 : i64, tpu.core_type = #tpu.core_type<tc>, window_params = [{transform_indices = @transform_0, window_bounds = array<i64: 4000, 64>}, {transform_indices = @transform_1, window_bounds = array<i64: 4000, 16>}, {transform_indices = @transform_2, window_bounds = array<i64: 4000, 16>}, {pipeline_mode = #tpu.pipeline_mode<synchronous>, transform_indices = @transform_3, window_bounds = array<i64: 16, 64>}, {pipeline_mode = #tpu.pipeline_mode<synchronous>, transform_indices = @transform_4, window_bounds = array<i64: 1, 64>}, {pipeline_mode = #tpu.pipeline_mode<synchronous>, transform_indices = @transform_5, window_bounds = array<i64: 1, 64>}, {pipeline_mode = #tpu.pipeline_mode<synchronous>, transform_indices = @transform_6, window_bounds = array<i64: 64, 64>}, {pipeline_mode = #tpu.pipeline_mode<synchronous>, transform_indices = @transform_7, window_bounds = array<i64: 1, 64>}, {pipeline_mode = #tpu.pipeline_mode<synchronous>, transform_indices = @transform_8, window_bounds = array<i64: 64, 64>}, {pipeline_mode = #tpu.pipeline_mode<synchronous>, transform_indices = @transform_9, window_bounds = array<i64: 1, 64>}, {pipeline_mode = #tpu.pipeline_mode<synchronous>, transform_indices = @transform_10, window_bounds = array<i64: 1, 64>}, {transform_indices = @transform_11, window_bounds = array<i64: 4000, 64>}, {transform_indices = @transform_12, window_bounds = array<i64: 4000, 16>}]} {
    %get3A = arith.constant 0 : index
    %get3A_0 = arith.constant 0 : index
    %get3A_1 = vector.load %arg2[%get3A, %get3A_0] : memref<4000x16xf32, #tpu.memory_space<vmem>>, vector<4000x16xf32>
    %mul3A = arith.mulf %get3A_1, %get3A_1 : vector<4000x16xf32>
    %reduce_sum3A = arith.constant dense<0.000000e+00> : vector<4000xf32>
    %reduce_sum3A_2 = vector.multi_reduction <add>, %mul3A, %reduce_sum3A [1] : vector<4000x16xf32> to vector<4000xf32>
    %broadcast_in_dim3A = vector.shape_cast %reduce_sum3A_2 : vector<4000xf32> to vector<4000x1xf32>
    %get3A_3 = arith.constant 0 : index
    %get3A_4 = arith.constant 0 : index
    %get3A_5 = vector.load %arg1[%get3A_3, %get3A_4] : memref<4000x64xf32, #tpu.memory_space<vmem>>, vector<4000x64xf32>
    %get3A_6 = arith.constant 0 : index
    %get3A_7 = arith.constant 0 : index
    %get3A_8 = vector.load %arg5[%get3A_6, %get3A_7] : memref<1x64xf32, #tpu.memory_space<vmem>>, vector<1x64xf32>
    %mul3A_9 = vector.broadcast %broadcast_in_dim3A : vector<4000x1xf32> to vector<4000x64xf32>
    %mul3A_10 = vector.broadcast %get3A_8 : vector<1x64xf32> to vector<4000x64xf32>
    %mul3A_11 = arith.mulf %mul3A_9, %mul3A_10 : vector<4000x64xf32>
    %add3A = arith.addf %get3A_5, %mul3A_11 : vector<4000x64xf32>
    %get3A_12 = arith.constant 0 : index
    %get3A_13 = arith.constant 0 : index
    %get3A_14 = vector.load %arg3[%get3A_12, %get3A_13] : memref<4000x16xf32, #tpu.memory_space<vmem>>, vector<4000x16xf32>
    %get3A_15 = arith.constant 0 : index
    %get3A_16 = arith.constant 0 : index
    %get3A_17 = vector.load %arg4[%get3A_15, %get3A_16] : memref<16x64xf32, #tpu.memory_space<vmem>>, vector<16x64xf32>
    %dot_general3A = arith.constant dense<0.000000e+00> : vector<4000x64xf32>
    %dot_general3A_18 = tpu.matmul %get3A_14, %get3A_17, %dot_general3A {dimension_numbers = #tpu.dot_dimension_numbers<[1], [0], [0], [1], [0, 0, 1, 1], [], []>, transpose_lhs_hint = false} : vector<4000x16xf32>, vector<16x64xf32>, vector<4000x64xf32> -> vector<4000x64xf32>
    %add3A_19 = arith.addf %add3A, %dot_general3A_18 : vector<4000x64xf32>
    %get3A_20 = arith.constant 0 : index
    %get3A_21 = arith.constant 0 : index
    %get3A_22 = vector.load %arg6[%get3A_20, %get3A_21] : memref<1x64xf32, #tpu.memory_space<vmem>>, vector<1x64xf32>
    %add3A_23 = vector.broadcast %get3A_22 : vector<1x64xf32> to vector<4000x64xf32>
    %add3A_24 = arith.addf %add3A_19, %add3A_23 : vector<4000x64xf32>
    %logistic3A = arith.negf %add3A_24 : vector<4000x64xf32>
    %logistic3A_25 = math.exp %logistic3A : vector<4000x64xf32>
    %logistic3A_26 = arith.constant 1.000000e+00 : f32
    %logistic3A_27 = vector.broadcast %logistic3A_26 : f32 to vector<4000x64xf32>
    %logistic3A_28 = arith.addf %logistic3A_27, %logistic3A_25 : vector<4000x64xf32>
    %logistic3A_29 = arith.divf %logistic3A_27, %logistic3A_28 : vector<4000x64xf32>
    %mul3A_30 = arith.mulf %add3A_24, %logistic3A_29 : vector<4000x64xf32>
    %get3A_31 = arith.constant 0 : index
    %get3A_32 = arith.constant 0 : index
    %get3A_33 = vector.load %arg7[%get3A_31, %get3A_32] : memref<64x64xf32, #tpu.memory_space<vmem>>, vector<64x64xf32>
    %dot_general3A_34 = arith.constant dense<0.000000e+00> : vector<4000x64xf32>
    %dot_general3A_35 = tpu.matmul %mul3A_30, %get3A_33, %dot_general3A_34 {dimension_numbers = #tpu.dot_dimension_numbers<[1], [0], [0], [1], [0, 0, 1, 1], [], []>, transpose_lhs_hint = false} : vector<4000x64xf32>, vector<64x64xf32>, vector<4000x64xf32> -> vector<4000x64xf32>
    %get3A_36 = arith.constant 0 : index
    %get3A_37 = arith.constant 0 : index
    %get3A_38 = vector.load %arg8[%get3A_36, %get3A_37] : memref<1x64xf32, #tpu.memory_space<vmem>>, vector<1x64xf32>
    %add3A_39 = vector.broadcast %get3A_38 : vector<1x64xf32> to vector<4000x64xf32>
    %add3A_40 = arith.addf %dot_general3A_35, %add3A_39 : vector<4000x64xf32>
    %get3A_41 = arith.constant 0 : index
    %get3A_42 = arith.constant 0 : index
    %get3A_43 = vector.load %arg9[%get3A_41, %get3A_42] : memref<64x64xf32, #tpu.memory_space<vmem>>, vector<64x64xf32>
    %dot_general3A_44 = arith.constant dense<0.000000e+00> : vector<4000x64xf32>
    %dot_general3A_45 = tpu.matmul %add3A_40, %get3A_43, %dot_general3A_44 {dimension_numbers = #tpu.dot_dimension_numbers<[1], [0], [0], [1], [0, 0, 1, 1], [], []>, transpose_lhs_hint = false} : vector<4000x64xf32>, vector<64x64xf32>, vector<4000x64xf32> -> vector<4000x64xf32>
    %get3A_46 = arith.constant 0 : index
    %get3A_47 = arith.constant 0 : index
    %get3A_48 = vector.load %arg10[%get3A_46, %get3A_47] : memref<1x64xf32, #tpu.memory_space<vmem>>, vector<1x64xf32>
    %add3A_49 = vector.broadcast %get3A_48 : vector<1x64xf32> to vector<4000x64xf32>
    %add3A_50 = arith.addf %dot_general3A_45, %add3A_49 : vector<4000x64xf32>
    %logistic3A_51 = arith.negf %add3A_50 : vector<4000x64xf32>
    %logistic3A_52 = math.exp %logistic3A_51 : vector<4000x64xf32>
    %logistic3A_53 = arith.constant 1.000000e+00 : f32
    %logistic3A_54 = vector.broadcast %logistic3A_53 : f32 to vector<4000x64xf32>
    %logistic3A_55 = arith.addf %logistic3A_54, %logistic3A_52 : vector<4000x64xf32>
    %logistic3A_56 = arith.divf %logistic3A_54, %logistic3A_55 : vector<4000x64xf32>
    %mul3A_57 = arith.mulf %add3A_50, %logistic3A_56 : vector<4000x64xf32>
    %get3A_58 = arith.constant 0 : index
    %get3A_59 = arith.constant 0 : index
    %get3A_60 = vector.load %arg11[%get3A_58, %get3A_59] : memref<1x64xf32, #tpu.memory_space<vmem>>, vector<1x64xf32>
    %mul3A_61 = vector.broadcast %get3A_60 : vector<1x64xf32> to vector<4000x64xf32>
    %mul3A_62 = arith.mulf %mul3A_57, %mul3A_61 : vector<4000x64xf32>
    %reduce_sum3A_63 = arith.constant dense<0.000000e+00> : vector<4000xf32>
    %reduce_sum3A_64 = vector.multi_reduction <add>, %mul3A_62, %reduce_sum3A_63 [1] : vector<4000x64xf32> to vector<4000xf32>
    %broadcast_in_dim3A_65 = vector.shape_cast %reduce_sum3A_64 : vector<4000xf32> to vector<4000x1xf32>
    %swap3A = arith.constant 0 : index
    %swap3A_66 = arith.constant 0 : index
    %swap3A_67 = vector.load %arg12[%swap3A, %swap3A_66] : memref<4000x64xf32, #tpu.memory_space<vmem>>, vector<4000x64xf32>
    tpu.vector_store %arg12[%swap3A, %swap3A_66], %add3A_40 {strides = array<i32>} : memref<4000x64xf32, #tpu.memory_space<vmem>>, vector<4000x64xf32>,
    %mul3A_68 = vector.broadcast %broadcast_in_dim3A_65 : vector<4000x1xf32> to vector<4000x16xf32>
    %mul3A_69 = arith.mulf %get3A_1, %mul3A_68 : vector<4000x16xf32>
    %swap3A_70 = arith.constant 0 : index
    %swap3A_71 = arith.constant 0 : index
    %swap3A_72 = vector.load %arg13[%swap3A_70, %swap3A_71] : memref<4000x16xf32, #tpu.memory_space<vmem>>, vector<4000x16xf32>
    tpu.vector_store %arg13[%swap3A_70, %swap3A_71], %mul3A_69 {strides = array<i32>} : memref<4000x16xf32, #tpu.memory_space<vmem>>, vector<4000x16xf32>,
    return
  }
  func.func @transform_0(%arg0: i32) -> (i32, i32) {
    %c0_i32 = arith.constant 0 : i32
    %c0_i32_0 = arith.constant 0 : i32
    return %arg0, %c0_i32 : i32, i32
  }
  func.func @transform_1(%arg0: i32) -> (i32, i32) {
    %c0_i32 = arith.constant 0 : i32
    %c0_i32_0 = arith.constant 0 : i32
    return %arg0, %c0_i32 : i32, i32
  }
  func.func @transform_2(%arg0: i32) -> (i32, i32) {
    %c0_i32 = arith.constant 0 : i32
    %c0_i32_0 = arith.constant 0 : i32
    return %arg0, %c0_i32 : i32, i32
  }
  func.func @transform_3(%arg0: i32) -> (i32, i32) {
    %c0_i32 = arith.constant 0 : i32
    %c0_i32_0 = arith.constant 0 : i32
    %c0_i32_1 = arith.constant 0 : i32
    return %c0_i32, %c0_i32_0 : i32, i32
  }
  func.func @transform_4(%arg0: i32) -> (i32, i32) {
    %c0_i32 = arith.constant 0 : i32
    %c0_i32_0 = arith.constant 0 : i32
    %c0_i32_1 = arith.constant 0 : i32
    return %c0_i32, %c0_i32_0 : i32, i32
  }
  func.func @transform_5(%arg0: i32) -> (i32, i32) {
    %c0_i32 = arith.constant 0 : i32
    %c0_i32_0 = arith.constant 0 : i32
    %c0_i32_1 = arith.constant 0 : i32
    return %c0_i32, %c0_i32_0 : i32, i32
  }
  func.func @transform_6(%arg0: i32) -> (i32, i32) {
    %c0_i32 = arith.constant 0 : i32
    %c0_i32_0 = arith.constant 0 : i32
    %c0_i32_1 = arith.constant 0 : i32
    return %c0_i32, %c0_i32_0 : i32, i32
  }
  func.func @transform_7(%arg0: i32) -> (i32, i32) {
    %c0_i32 = arith.constant 0 : i32
    %c0_i32_0 = arith.constant 0 : i32
    %c0_i32_1 = arith.constant 0 : i32
    return %c0_i32, %c0_i32_0 : i32, i32
  }
  func.func @transform_8(%arg0: i32) -> (i32, i32) {
    %c0_i32 = arith.constant 0 : i32
    %c0_i32_0 = arith.constant 0 : i32
    %c0_i32_1 = arith.constant 0 : i32
    return %c0_i32, %c0_i32_0 : i32, i32
  }
  func.func @transform_9(%arg0: i32) -> (i32, i32) {
    %c0_i32 = arith.constant 0 : i32
    %c0_i32_0 = arith.constant 0 : i32
    %c0_i32_1 = arith.constant 0 : i32
    return %c0_i32, %c0_i32_0 : i32, i32
  }
  func.func @transform_10(%arg0: i32) -> (i32, i32) {
    %c0_i32 = arith.constant 0 : i32
    %c0_i32_0 = arith.constant 0 : i32
    %c0_i32_1 = arith.constant 0 : i32
    return %c0_i32, %c0_i32_0 : i32, i32
  }
  func.func @transform_11(%arg0: i32) -> (i32, i32) {
    %c0_i32 = arith.constant 0 : i32
    %c0_i32_0 = arith.constant 0 : i32
    return %arg0, %c0_i32 : i32, i32
  }
  func.func @transform_12(%arg0: i32) -> (i32, i32) {
    %c0_i32 = arith.constant 0 : i32
    %c0_i32_0 = arith.constant 0 : i32
    return %arg0, %c0_i32 : i32, i32
  }
}

module attributes {stable_mosaic.version = 14 : i64} {
  func.func @_node_body(%arg0: i32, %arg1: memref<2000x128xf32, #tpu.memory_space<vmem>>, %arg2: memref<2000x64xf32, #tpu.memory_space<vmem>>, %arg3: memref<2x2000x64xf32, #tpu.memory_space<vmem>>, %arg4: memref<2x2000x16xf32, #tpu.memory_space<vmem>>, %arg5: memref<2000x16xf32, #tpu.memory_space<vmem>>, %arg6: memref<64x64xf32, #tpu.memory_space<vmem>>, %arg7: memref<1x64xf32, #tpu.memory_space<vmem>>, %arg8: memref<64x128xf32, #tpu.memory_space<vmem>>, %arg9: memref<1x128xf32, #tpu.memory_space<vmem>>, %arg10: memref<2000x128xf32, #tpu.memory_space<vmem>>, %arg11: memref<2000x16xf32, #tpu.memory_space<vmem>>) attributes {dimension_semantics = [#tpu.dimension_semantics<arbitrary>], iteration_bounds = array<i64: 5>, scalar_prefetch = 0 : i64, scratch_operands = 0 : i64, tpu.core_type = #tpu.core_type<tc>, window_params = [{transform_indices = @transform_0, window_bounds = array<i64: 2000, 128>}, {transform_indices = @transform_1, window_bounds = array<i64: 2000, 64>}, {transform_indices = @transform_2, window_bounds = array<i64: 2, 2000, 64>}, {transform_indices = @transform_3, window_bounds = array<i64: 2, 2000, 16>}, {transform_indices = @transform_4, window_bounds = array<i64: 2000, 16>}, {pipeline_mode = #tpu.pipeline_mode<synchronous>, transform_indices = @transform_5, window_bounds = array<i64: 64, 64>}, {pipeline_mode = #tpu.pipeline_mode<synchronous>, transform_indices = @transform_6, window_bounds = array<i64: 1, 64>}, {pipeline_mode = #tpu.pipeline_mode<synchronous>, transform_indices = @transform_7, window_bounds = array<i64: 64, 128>}, {pipeline_mode = #tpu.pipeline_mode<synchronous>, transform_indices = @transform_8, window_bounds = array<i64: 1, 128>}, {transform_indices = @transform_9, window_bounds = array<i64: 2000, 128>}, {transform_indices = @transform_10, window_bounds = array<i64: 2000, 16>}]} {
    %get3A = arith.constant 0 : index
    %get3A_0 = arith.constant 0 : index
    %get3A_1 = arith.constant 0 : index
    %get3A_2 = vector.load %arg3[%get3A, %get3A_0, %get3A_1] : memref<2x2000x64xf32, #tpu.memory_space<vmem>>, vector<1x2000x64xf32>
    %get3A_3 = vector.shape_cast %get3A_2 : vector<1x2000x64xf32> to vector<2000x64xf32>
    %get3A_4 = arith.constant 1 : index
    %get3A_5 = arith.constant 0 : index
    %get3A_6 = arith.constant 0 : index
    %get3A_7 = vector.load %arg3[%get3A_4, %get3A_5, %get3A_6] : memref<2x2000x64xf32, #tpu.memory_space<vmem>>, vector<1x2000x64xf32>
    %get3A_8 = vector.shape_cast %get3A_7 : vector<1x2000x64xf32> to vector<2000x64xf32>
    %add3A = arith.addf %get3A_3, %get3A_8 : vector<2000x64xf32>
    %get3A_9 = arith.constant 0 : index
    %get3A_10 = arith.constant 0 : index
    %get3A_11 = vector.load %arg2[%get3A_9, %get3A_10] : memref<2000x64xf32, #tpu.memory_space<vmem>>, vector<2000x64xf32>
    %get3A_12 = arith.constant 0 : index
    %get3A_13 = arith.constant 0 : index
    %get3A_14 = vector.load %arg6[%get3A_12, %get3A_13] : memref<64x64xf32, #tpu.memory_space<vmem>>, vector<64x64xf32>
    %dot_general3A = arith.constant dense<0.000000e+00> : vector<2000x64xf32>
    %dot_general3A_15 = tpu.matmul %add3A, %get3A_14, %dot_general3A {dimension_numbers = #tpu.dot_dimension_numbers<[1], [0], [0], [1], [0, 0, 1, 1], [], []>, transpose_lhs_hint = false} : vector<2000x64xf32>, vector<64x64xf32>, vector<2000x64xf32> -> vector<2000x64xf32>
    %add3A_16 = arith.addf %get3A_11, %dot_general3A_15 : vector<2000x64xf32>
    %get3A_17 = arith.constant 0 : index
    %get3A_18 = arith.constant 0 : index
    %get3A_19 = vector.load %arg7[%get3A_17, %get3A_18] : memref<1x64xf32, #tpu.memory_space<vmem>>, vector<1x64xf32>
    %add3A_20 = vector.broadcast %get3A_19 : vector<1x64xf32> to vector<2000x64xf32>
    %add3A_21 = arith.addf %add3A_16, %add3A_20 : vector<2000x64xf32>
    %logistic3A = arith.negf %add3A_21 : vector<2000x64xf32>
    %logistic3A_22 = math.exp %logistic3A : vector<2000x64xf32>
    %logistic3A_23 = arith.constant 1.000000e+00 : f32
    %logistic3A_24 = vector.broadcast %logistic3A_23 : f32 to vector<2000x64xf32>
    %logistic3A_25 = arith.addf %logistic3A_24, %logistic3A_22 : vector<2000x64xf32>
    %logistic3A_26 = arith.divf %logistic3A_24, %logistic3A_25 : vector<2000x64xf32>
    %mul3A = arith.mulf %add3A_21, %logistic3A_26 : vector<2000x64xf32>
    %get3A_27 = arith.constant 0 : index
    %get3A_28 = arith.constant 0 : index
    %get3A_29 = vector.load %arg1[%get3A_27, %get3A_28] : memref<2000x128xf32, #tpu.memory_space<vmem>>, vector<2000x128xf32>
    %get3A_30 = arith.constant 0 : index
    %get3A_31 = arith.constant 0 : index
    %get3A_32 = vector.load %arg8[%get3A_30, %get3A_31] : memref<64x128xf32, #tpu.memory_space<vmem>>, vector<64x128xf32>
    %dot_general3A_33 = arith.constant dense<0.000000e+00> : vector<2000x128xf32>
    %dot_general3A_34 = tpu.matmul %mul3A, %get3A_32, %dot_general3A_33 {dimension_numbers = #tpu.dot_dimension_numbers<[1], [0], [0], [1], [0, 0, 1, 1], [], []>, transpose_lhs_hint = false} : vector<2000x64xf32>, vector<64x128xf32>, vector<2000x128xf32> -> vector<2000x128xf32>
    %add3A_35 = arith.addf %get3A_29, %dot_general3A_34 : vector<2000x128xf32>
    %get3A_36 = arith.constant 0 : index
    %get3A_37 = arith.constant 0 : index
    %get3A_38 = vector.load %arg9[%get3A_36, %get3A_37] : memref<1x128xf32, #tpu.memory_space<vmem>>, vector<1x128xf32>
    %add3A_39 = vector.broadcast %get3A_38 : vector<1x128xf32> to vector<2000x128xf32>
    %add3A_40 = arith.addf %add3A_35, %add3A_39 : vector<2000x128xf32>
    %swap3A = arith.constant 0 : index
    %swap3A_41 = arith.constant 0 : index
    %swap3A_42 = vector.load %arg10[%swap3A, %swap3A_41] : memref<2000x128xf32, #tpu.memory_space<vmem>>, vector<2000x128xf32>
    tpu.vector_store %arg10[%swap3A, %swap3A_41], %add3A_40 {strides = array<i32>} : memref<2000x128xf32, #tpu.memory_space<vmem>>, vector<2000x128xf32>,
    %get3A_43 = arith.constant 0 : index
    %get3A_44 = arith.constant 0 : index
    %get3A_45 = vector.load %arg5[%get3A_43, %get3A_44] : memref<2000x16xf32, #tpu.memory_space<vmem>>, vector<2000x16xf32>
    %get3A_46 = arith.constant 0 : index
    %get3A_47 = arith.constant 0 : index
    %get3A_48 = arith.constant 0 : index
    %get3A_49 = vector.load %arg4[%get3A_46, %get3A_47, %get3A_48] : memref<2x2000x16xf32, #tpu.memory_space<vmem>>, vector<1x2000x16xf32>
    %get3A_50 = vector.shape_cast %get3A_49 : vector<1x2000x16xf32> to vector<2000x16xf32>
    %add3A_51 = arith.addf %get3A_45, %get3A_50 : vector<2000x16xf32>
    %get3A_52 = arith.constant 1 : index
    %get3A_53 = arith.constant 0 : index
    %get3A_54 = arith.constant 0 : index
    %get3A_55 = vector.load %arg4[%get3A_52, %get3A_53, %get3A_54] : memref<2x2000x16xf32, #tpu.memory_space<vmem>>, vector<1x2000x16xf32>
    %get3A_56 = vector.shape_cast %get3A_55 : vector<1x2000x16xf32> to vector<2000x16xf32>
    %add3A_57 = arith.addf %add3A_51, %get3A_56 : vector<2000x16xf32>
    %swap3A_58 = arith.constant 0 : index
    %swap3A_59 = arith.constant 0 : index
    %swap3A_60 = vector.load %arg11[%swap3A_58, %swap3A_59] : memref<2000x16xf32, #tpu.memory_space<vmem>>, vector<2000x16xf32>
    tpu.vector_store %arg11[%swap3A_58, %swap3A_59], %add3A_57 {strides = array<i32>} : memref<2000x16xf32, #tpu.memory_space<vmem>>, vector<2000x16xf32>,
    return
  }
  func.func @transform_0(%arg0: i32) -> (i32, i32) {
    %c0_i32 = arith.constant 0 : i32
    %c0_i32_0 = arith.constant 0 : i32
    return %arg0, %c0_i32 : i32, i32
  }
  func.func @transform_1(%arg0: i32) -> (i32, i32) {
    %c0_i32 = arith.constant 0 : i32
    %c0_i32_0 = arith.constant 0 : i32
    return %arg0, %c0_i32 : i32, i32
  }
  func.func @transform_2(%arg0: i32) -> (i32, i32, i32) {
    %c0_i32 = arith.constant 0 : i32
    %c0_i32_0 = arith.constant 0 : i32
    %c0_i32_1 = arith.constant 0 : i32
    return %c0_i32, %arg0, %c0_i32_0 : i32, i32, i32
  }
  func.func @transform_3(%arg0: i32) -> (i32, i32, i32) {
    %c0_i32 = arith.constant 0 : i32
    %c0_i32_0 = arith.constant 0 : i32
    %c0_i32_1 = arith.constant 0 : i32
    return %c0_i32, %arg0, %c0_i32_0 : i32, i32, i32
  }
  func.func @transform_4(%arg0: i32) -> (i32, i32) {
    %c0_i32 = arith.constant 0 : i32
    %c0_i32_0 = arith.constant 0 : i32
    return %arg0, %c0_i32 : i32, i32
  }
  func.func @transform_5(%arg0: i32) -> (i32, i32) {
    %c0_i32 = arith.constant 0 : i32
    %c0_i32_0 = arith.constant 0 : i32
    %c0_i32_1 = arith.constant 0 : i32
    return %c0_i32, %c0_i32_0 : i32, i32
  }
  func.func @transform_6(%arg0: i32) -> (i32, i32) {
    %c0_i32 = arith.constant 0 : i32
    %c0_i32_0 = arith.constant 0 : i32
    %c0_i32_1 = arith.constant 0 : i32
    return %c0_i32, %c0_i32_0 : i32, i32
  }
  func.func @transform_7(%arg0: i32) -> (i32, i32) {
    %c0_i32 = arith.constant 0 : i32
    %c0_i32_0 = arith.constant 0 : i32
    %c0_i32_1 = arith.constant 0 : i32
    return %c0_i32, %c0_i32_0 : i32, i32
  }
  func.func @transform_8(%arg0: i32) -> (i32, i32) {
    %c0_i32 = arith.constant 0 : i32
    %c0_i32_0 = arith.constant 0 : i32
    %c0_i32_1 = arith.constant 0 : i32
    return %c0_i32, %c0_i32_0 : i32, i32
  }
  func.func @transform_9(%arg0: i32) -> (i32, i32) {
    %c0_i32 = arith.constant 0 : i32
    %c0_i32_0 = arith.constant 0 : i32
    return %arg0, %c0_i32 : i32, i32
  }
  func.func @transform_10(%arg0: i32) -> (i32, i32) {
    %c0_i32 = arith.constant 0 : i32
    %c0_i32_0 = arith.constant 0 : i32
    return %arg0, %c0_i32 : i32, i32
  }
}

</mosaic_0001>

<sc_bundles>
// kernel: kernel.10.cloned.1.call-start
scs
__scs_entry_jumppad:
0x0: {  	(pc) =	sbr.rel $0x88, $3  }
0x1: {  	(tag) =	ssettag $0x0;
	lr =	simm.s32 $0x1  }
0x2: {  	[smem:$0x3F92] =	sst lr;
	_ =	strace $0xD0000000  }
0x3: {  	_ = 	snop  }
0x4: {  	_ = 	snop  }
0x5: {  	_ = 	snop  }
0x6: {  	_ = 	snop  }
0x7: {  	_ = 	snop  }
__scs_overlays_trampoline_lowered:
0x8: {  	[smem:$0x3FA1] =	sst s0  }
0x9: {  	[smem:$0x3FA2] =	sst s1  }
0xa: {  	[smem:$0x3FA3] =	sst s2  }
0xb: {  	[smem:$0x3FA4] =	sst s3  }
0xc: {  	[smem:$0x3FA5] =	sst s4  }
0xd: {  	[smem:$0x3FA6] =	sst s5  }
0xe: {  	[smem:$0x3FA7] =	sst s6  }
0xf: {  	[smem:$0x3FA8] =	sst s7  }
0x10: {  	[smem:$0x3FA9] =	sst s8  }
0x11: {  	[smem:$0x3FAA] =	sst s9;
	s0 =	simm.s32 @!p0 $0x0  }
0x12: {  	s1 =	sld [smem:$0x3F90];
	s0 =	simm.s32 @p0 $0x1  }
0x13: {  	[smem:$0x3FAB] =	sst s0;
	s0 =	simm.s32 @!p1 $0x0  }
0x14: {  	s2 =	sld [smem:$0x3F8F];
	s0 =	simm.s32 @p1 $0x1  }
0x15: {  	[smem:$0x3FAC] =	sst s0;
	s0 =	simm.s32 @!p2 $0x0  }
0x16: {  	s3 =	sld [smem:$0x3FDB];
	s0 =	simm.s32 @p2 $0x1  }
0x17: {  	s4 =	simm.s32 $0x1BF5;
	[smem:$0x3FAE] =	sst s0  }
0x18: {  	s0 =	sld [smem:$0x3F91];
	_ =	swait.ge [sflag:s4], $0x0  }
0x19: {  	s7 =	sld [smem:$0x3F92]  }
0x1a: {  	s8 =	sadd.s32 $0xFFFFE003, lr  }
0x1b: {  	s9 =	sadd.s32 $0xFFFFFEF7, lr;
	s5 =	simm.s32 $0xFFFFFFFF;
	p2 =	slt.u32 s8, $0xFFFFF086  }
0x1c: {  	p1 =	slt.u32 s9, $0xF7A;
	s5 =	simm.s32 @!p2 $0x0  }
0x1d: {  	s5 =	simm.s32 @p1 $0x1;
	p0 =	seq.s32 s7, s2  }
0x1e: {  	s7 =	smul.u32 @!p0 $0xF7A, s2;
	p2 =	seq.s32 @!p0 s5, $0x0  }
0x1f: {  	s9 =	smul.u32 $0xF7A, s1;
	s8 =	simm.s32 @!p0 $0x1BF5;
	p2 =	por !p2, p0  }
0x20: {  	[sflag:s8] =	ssyncset.s32 @!p0 $0xFFFFF086;
	s6 =	sadd.s32 @!p0 s3, s7;
	s7 =	simm.s32 @!p0 $0x108  }
0x21: {  	s3 =	sadd.s32 s3, s9;
	s6 =	sadd.s32 @!p0 $0x88, s6;
	s7 =	simm.s32 @p2 $0x1082  }
0x22: {  	[simem:s7], [sflag:s8] =	dma.local @!p0 [hbm:s6], $0xF7A  }
0x23: {  	s9 =	sor.u32 $0xD0000000, s2;
	s6 =	simm.s32 $0x108;
	_ =	swait.ge @!p0 [sflag:s8], $0x0  }
0x24: {  	s3 =	sadd.s32 $0x88, s3;
	s6 =	simm.s32 @!p1 $0x1082;
	[sflag:s4] =	ssyncset.s32 $0xFFFFF086  }
0x25: {  	[simem:s6], [sflag:s4] =	dma.local [hbm:s3], $0xF7A  }
0x26: {  	[smem:$0x3F92] =	sst s1;
	(tag) =	ssettag s2;
	_ =	strace s9  }
0x27: {  	s1 =	sld [smem:$0x3FA2]  }
0x28: {  	s2 =	sld [smem:$0x3FA3]  }
0x29: {  	s4 =	sld [smem:$0x3FA5]  }
0x2a: {  	p0 =	seq.s32 s5, $0x0;
	s5 =	sld [smem:$0x3FA6]  }
0x2b: {  	s6 =	sld [smem:$0x3FA7]  }
0x2c: {  	s7 =	sld [smem:$0x3FA8]  }
0x2d: {  	s3 =	simm.s32 $0x108;
	s8 =	sld [smem:$0x3FA9]  }
0x2e: {  	s3 =	simm.s32 @!p0 $0x1082;
	s9 =	sld [smem:$0x3FAA]  }
0x2f: {  	lr =	sadd.s32 s0, s3;
	s0 =	sld [smem:$0x3FA1]  }
0x30: {  	s3 =	sld [smem:$0x3FA4]  }
0x31: {  	[smem:$0x3FAD] =	sst s10  }
0x32: {  	s10 =	sld [smem:$0x3FAB];
	_ =	sdelay $0x3  }
0x33: {  	p0 =	seq.s32 s10, $0x1;
	s10 =	sld [smem:$0x3FAD];
	_ =	sdelay $0x3  }
0x34: {  	[smem:$0x3FAD] =	sst s10  }
0x35: {  	s10 =	sld [smem:$0x3FAC];
	_ =	sdelay $0x3  }
0x36: {  	p1 =	seq.s32 s10, $0x1;
	s10 =	sld [smem:$0x3FAD];
	_ =	sdelay $0x3  }
0x37: {  	[smem:$0x3FAD] =	sst s10  }
0x38: {  	s10 =	sld [smem:$0x3FAE]  }
0x39: {  	_ = 	snop;
	(pc) =	sbr.ind lr, $3  }
0x3a: {  	_ = 	snop  }
0x3b: {  	_ = 	snop  }
0x3c: {  	p2 =	seq.s32 s10, $0x1;
	s10 =	sld [smem:$0x3FAD]  }
0x3d: {  	_ =	shalt  }
0x3e: {  	_ =	shalt  }
0x3f: {  	_ =	shalt  }
0x40: {  	_ =	shalt  }
0x41: {  	_ =	shalt  }
0x42: {  	_ =	shalt  }
0x43: {  	_ =	shalt  }
0x44: {  	_ =	shalt  }
0x45: {  	_ =	shalt  }
0x46: {  	_ =	shalt  }
0x47: {  	_ =	shalt  }
0x48: {  	_ =	shalt  }
0x49: {  	_ =	shalt  }
0x4a: {  	_ =	shalt  }
0x4b: {  	_ =	shalt  }
0x4c: {  	_ =	shalt  }
0x4d: {  	_ =	shalt  }
0x4e: {  	_ =	shalt  }
0x4f: {  	_ =	shalt  }
0x50: {  	_ =	shalt  }
0x51: {  	_ =	shalt  }
0x52: {  	_ =	shalt  }
0x53: {  	_ =	shalt  }
0x54: {  	_ =	shalt  }
0x55: {  	_ =	shalt  }
0x56: {  	_ =	shalt  }
0x57: {  	_ =	shalt  }
0x58: {  	_ =	shalt  }
0x59: {  	_ =	shalt  }
0x5a: {  	_ =	shalt  }
0x5b: {  	_ =	shalt  }
0x5c: {  	_ =	shalt  }
0x5d: {  	_ =	shalt  }
0x5e: {  	_ =	shalt  }
0x5f: {  	_ =	shalt  }
0x60: {  	_ =	shalt  }
0x61: {  	_ =	shalt  }
0x62: {  	_ =	shalt  }
0x63: {  	_ =	shalt  }
0x64: {  	_ =	shalt  }
0x65: {  	_ =	shalt  }
0x66: {  	_ =	shalt  }
0x67: {  	_ =	shalt  }
0x68: {  	_ =	shalt  }
0x69: {  	_ =	shalt  }
0x6a: {  	_ =	shalt  }
0x6b: {  	_ =	shalt  }
0x6c: {  	_ =	shalt  }
0x6d: {  	_ =	shalt  }
0x6e: {  	_ =	shalt  }
0x6f: {  	_ =	shalt  }
0x70: {  	_ =	shalt  }
0x71: {  	_ =	shalt  }
0x72: {  	_ =	shalt  }
0x73: {  	_ =	shalt  }
0x74: {  	_ =	shalt  }
0x75: {  	_ =	shalt  }
0x76: {  	_ =	shalt  }
0x77: {  	_ =	shalt  }
0x78: {  	_ =	shalt  }
0x79: {  	_ =	shalt  }
0x7a: {  	_ =	shalt  }
0x7b: {  	_ =	shalt  }
0x7c: {  	_ =	shalt  }
0x7d: {  	_ =	shalt  }
0x7e: {  	_ =	shalt  }
0x7f: {  	_ =	shalt  }
0x80: {  	_ =	shalt  }
0x81: {  	_ =	shalt  }
0x82: {  	_ =	shalt  }
0x83: {  	_ =	shalt  }
0x84: {  	_ =	shalt  }
0x85: {  	_ =	shalt  }
0x86: {  	_ =	shalt  }
0x87: {  	_ =	shalt  }
.Lfunc_end0:
.L_simem_size_0:
called_computation.1_lowered:
.L_overlay_start_0:
0x88: {  	s2 =	sld [smem:$0x3FD9]  }
0x89: {  	s3 =	sld [smem:$0x3FFE];
	_ =	sdelay $0x1  }
0x8a: {  	s1 =	srdreg.scid  }
0x8b: {  	s0 =	sand.u32 $0x1, s1  }
0x8c: {  	s14 =	sshll.u32 s0, $0xA;
	s2 =	sadd.s32 s3, s2  }
0x8d: {  	s2 =	sadd.s32 s2, s14  }
0x8e: {  	[smem:$0x3FB9] =	sst s2  }
0x8f: {  	_ = 	snop  }
0x90: {  	s2 =	sld [smem:$0x3FD0];
	_ =	sdelay $0x2  }
0x91: {  	s15 =	simm.s32 $0xA;
	s4 =	simm.s32 $0x10  }
0x92: {  	[smem:s4], [sflag:s15] =	dma.local [hbm:s2], $0x1  }
0x93: {  	_ =	swait.eq [sflag:s15], $0x1  }
0x94: {  	[sflag:s15] =	ssyncset.done $0x0  }
0x95: {  	[sflag:s15] =	ssyncadd.s32 $0xFFFFFFFF  }
0x96: {  	s16 =	sld [smem:$0x11];
	(tm) =	ssettm $0x1  }
0x97: {  	s17 =	sld [smem:$0x3FFB];
	_ =	sdelay $0x3  }
0x98: {  	_ =	strace s17  }
0x99: {  	s3 =	sld [smem:$0x3FFC];
	_ =	sdelay $0x3  }
0x9a: {  	_ =	strace s3  }
0x9b: {  	s3 =	sld [smem:$0x3FFD];
	_ =	sdelay $0x3  }
0x9c: {  	_ =	strace s3  }
0x9d: {  	_ =	strace $0x8FFFFFFF  }
0x9e: {  	s18 =	sld [smem:$0x3FDB];
	_ =	sdelay $0x1  }
0x9f: {  	s19 =	simm.s32 $_scs_section_size  }
0xa0: {  	s5 =	simm.s32 $_size__tile_overlayer_lowered;
	s6 =	simm.s32 $_tile_overlayer_lowered  }
0xa1: {  	s22 =	simm.s32 $0x1BFF;
	s21 =	sshll.u32 s6, $0x1;
	s3 =	sadd.s32 s19, s18  }
0xa2: {  	s7 =	simm.s32 $0x0;
	s20 =	sshll.u32 s5, $0x1;
	s5 =	sadd.s32 s21, s3  }
0xa3: {  	[timem:s7], [sflag:s22] =	dma.local [hbm:s5], s20  }
0xa4: {  	_ =	swait.ge [sflag:s22], s20  }
0xa5: {  	s4 =	ssub.s32 $0x0, s20;
	[sflag:s22] =	ssyncset.done $0x0  }
0xa6: {  	[sflag:s22] =	ssyncadd.s32 s4;
	_ =	sdelay $0x1  }
0xa7: {  	s23 =	simm.s32 $0x1B8B  }
0xa8: {  	_ =	swait.ge [sflag:s23], $0x1  }
0xa9: {  	[sflag:s23] =	ssyncset.done $0x0  }
0xaa: {  	s25 =	simm.s32 $0x1B8E;
	s24 =	sld [smem:$0x3FFE];
	[sflag:s23] =	ssyncadd.s32 $0xFFFFFFFF  }
0xab: {  	s26 =	simm.s32 $execute0_lowered;
	[smem:$0x3FD2] =	sst s25  }
0xac: {  	s5 =	sshll.u32 s26, $0x1;
	_ =	strace $0x80000049;
	[dreg:$0x1] =	wrdreg $0xFFFFFFFF  }
0xad: {  	s28 =	simm.s32 $_size_execute0_lowered;
	s3 =	sadd.s32 s3, s5;
	[dreg:$0x0] =	wrdreg $0x0  }
0xae: {  	s5 =	sshll.u32 s28, $0x1;
	[dreg:$0x2] =	wrdreg s3  }
0xaf: {  	[dreg:$0x3] =	wrdreg s5  }
0xb0: {  	[dreg:$0x4] =	wrdreg $0xC0  }
0xb1: {  	_ =	task [dreg:s7], $0x5FFFF  }
0xb2: {  	[dreg:$0x1] =	wrdreg $0xFFFFFFFF  }
0xb3: {  	[dreg:$0x0] =	wrdreg $0x60  }
0xb4: {  	[dreg:$0x2] =	wrdreg s24  }
0xb5: {  	[dreg:$0x3] =	wrdreg s16  }
0xb6: {  	[dreg:$0x4] =	wrdreg $0x28800  }
0xb7: {  	[dreg:$0x5] =	wrdreg $0xC4C00  }
0xb8: {  	[dreg:$0x6] =	wrdreg $0x9  }
0xb9: {  	_ =	task.clear_ibuf [dreg:s7], $0x7FFFF;
	_ =	strace $0x90000049  }
0xba: {  	s29 =	simm.s32 $0x9;
	_ =	strace $0x8000004B  }
0xbb: {  	_ =	swait.ge [sflag:s29], $0x1  }
0xbc: {  	[sflag:s29] =	ssyncadd.s32 $0xFFFFFFFF  }
0xbd: {  	_ =	strace $0x9000004B  }
0xbe: {  	_ =	sfence  }
0xbf: {  	s30 =	sld [smem:$0x0];
	_ =	sdelay $0x2  }
0xc0: {  	s31 =	sshll.u32 s1, $0xD;
	s1 =	sshrl.u32 s1, $0x2  }
0xc1: {  	s3 =	sand.u32 $0x4000, s31;
	s1 =	sadd.s32 s1, s30  }
0xc2: {  	s0 =	sor.u32 s3, s0;
	s1 =	sshll.u32 s1, $0x11  }
0xc3: {  	s0 =	sor.u32 s1, s0  }
0xc4: {  	s0 =	sadd.s32 $0x8F2B, s0  }
0xc5: {  	[sflag:s0] =	ssyncadd.remote.s32 $0x1  }
0xc6: {  	_ =	sfence.sel $0xFFFF  }
0xc7: {  	[dreg:$0x0] =	wrdreg $0xFFFFFFFF;
	(pc) =	sbr.abs _section_cstart, $3  }
0xc8: {  	[dreg:$0x1] =	wrdreg $0xFFFFFFFF  }
0xc9: {  	_ =	task.clear_ibuf [dreg:s7], $0x2FFFF;
	_ =	strace $0x9FFFFFFF  }
0xca: {  	(tm) =	ssettm $0x7FFFFFFF  }
0xcb: {  	_ =	shalt  }
tec
execute0_lowered:
.L_overlay_start_1:
0x0: {  	(tag) =	ssettag $0x1  }
0x1: {  	s10 =	rddreg [dreg:$0x0]  }
0x2: {  	s1 =	rddreg [dreg:$0x1]  }
0x3: {  	s2 =	rddreg [dreg:$0x2]  }
0x4: {  	s3 =	rddreg [dreg:$0x3]  }
0x5: {  	s4 =	simm.s32 $0x0;
	s6 =	srdreg.scid;
	s7 =	stileid.u32  }
0x6: {  	[smem:$0x7FF] =	sst s4;
	s5 =	sadd.s32 $0x10200, s10;
	s14 =	sand.u32 $0x1, s6  }
0x7: {  	s6 =	sadd.s32 $0x68600, s10;
	s8 =	sadd.s32 $0x2D9600, s10;
	s15 =	smul.u32 $0x9C40, s7  }
0x8: {  	s9 =	sadd.s32 $0x6400, s10;
	s16 =	smul.u32 $0x2710, s7;
	s17 =	sshll.u32 s7, $0x1  }
0x9: {  	s20 =	sshll.u32 s7, $0x6;
	s26 =	sshll.u32 s7, $0x8;
	s29 =	sshll.u32 s7, $0xB  }
0xa: {  	s31 =	sshll.u32 s7, $0x9;
	_ =	strace $0x8000004A;
	s11 =	smul.u32 $0x13880, s14  }
0xb: {  	s12 =	smul.u32 $0x4E20, s14;
	s13 =	ssub.s32 $0x2, s14;
	s21 =	sor.u32 s17, s14  }
0xc: {  	s28 =	sshll.u32 s14, $0x7;
	s30 =	sshll.u32 s14, $0xA;
	s17 =	simm.s32 $0x3  }
0xd: {  	s19 =	sshrl.u32 s13, $0x1;
	s18 =	sadd.s32 s15, s2;
	s23 =	sshrl.u32 s15, $0x3  }
0xe: {  	s25 =	sshrl.u32 s16, $0x3;
	s11 =	sadd.s32 s11, s10;
	s12 =	sadd.s32 s12, s10  }
0xf: {  	s13 =	ssub.s32 s13, s19;
	s10 =	sor.u32 $0x1C03, s20;
	s19 =	sadd.s32 s16, s3  }
0x10: {  	s20 =	sshll.u32 s14, $0x8;
	s14 =	sor.u32 s30, s29;
	s16 =	sshrl.u32 s18, $0x3  }
0x11: {  	s22 =	sadd.s32 $0x1A000, s11;
	s24 =	sadd.s32 $0x375A00, s12;
	s11 =	smax.u32 s13, $0x1  }
0x12: {  	s12 =	ssub.s32 $0x9E3, s21;
	s13 =	sor.u32 s28, s26;
	s15 =	sor.u32 s20, s31  }
0x13: {  	s18 =	sshrl.u32 s19, $0x3;
	s19 =	simm.s32 $0x80;
	s20 =	simm.s32 $0x2080  }
0x14: {  	s21 =	simm.s32 $0x1;
	s12 =	sshrl.u32 s12, $0x5;
	s22 =	sadd.s32 s23, s22  }
0x15: {  	s23 =	simm.s32 $0x2;
	s24 =	sadd.s32 s25, s24;
	s25 =	simm.s32 $0x0  }
.LBB2_1:
0x16: {  	[spmem:s16], [sflag:s10] =	dma.local [hbm:s9], $0x1388  }
0x17: {  	_ =	swait.ge [sflag:s17], $0x1388  }
0x18: {  	[sflag:s17] =	ssyncset.done $0x0  }
0x19: {  	p1 =	sne.s32 s12, $0x1;
	[sflag:s17] =	ssyncadd.s32 $0xFFFFEC78  }
0x1a: {  	[spmem:s18], [sflag:s10] =	dma.local [hbm:s1], $0x4E2  }
.Ltmp0:
0x1b: {  	_ =	swait.ge [sflag:s17], $0x4E2;
	(pc) =	sbr.rel @!p1 .LBB2_2-.Ltmp0, $4  }
0x1c: {  	[sflag:s17] =	ssyncset.done $0x0  }
0x1d: {  	[sflag:s17] =	ssyncadd.s32 $0xFFFFFB1E  }
0x1e: {  	[bflag:$0x0] =	sbarrier.arrive $0xFFFF  }
0x1f: {  	s26 =	sadd.s32 $0xFFFFFFFF, s12;
	s31 =	sshrl.u32 s13, $0x3;
	p0 =	por $0x0, $0x0  }
0x20: {  	s28 =	sadd.s32 s5, s31  }
0x21: {  	[tilespmem:s4], [sflag:$0x3] =	stream.linear.gather [hbm4b:s28+s4], $0x80, $0x38;
	[tilespmem:$0xEBD0] =	vst v63  }
0x22: {  	_ =	swait.ge [sflag:s17], $0x80  }
0x23: {  	s28 =	sand.u32 $0x1FFFFC00, s14;
	[sflag:s17] =	ssyncset.done $0x0  }
0x24: {  	s29 =	sand.u32 $0x1FFFFF00, s15;
	s28 =	sadd.s32 s6, s28;
	[sflag:s17] =	ssyncadd.s32 $0xFFFFFF80  }
0x25: {  	[tilespmem:s19], [sflag:$0x1] =	stream.linear.gather [hbm4b:s28+s4], $0x2000, $0x38;
	[tilespmem:$0xEBD0] =	vst v63  }
0x26: {  	s28 =	sadd.s32 s8, s29  }
0x27: {  	[tilespmem:s20], [sflag:$0x2] =	stream.linear.gather [hbm4b:s28+s4], $0x800, $0x38;
	[tilespmem:$0xEBD0] =	vst v63  }
0x28: {  	_ =	swait.ge [sflag:s21], $0x2000  }
0x29: {  	[sflag:s21] =	ssyncset.done $0x0  }
0x2a: {  	[sflag:s21] =	ssyncadd.s32 $0xFFFFE000  }
0x2b: {  	_ =	swait.ge [sflag:s23], $0x800  }
0x2c: {  	[sflag:s23] =	ssyncset.done $0x0  }
0x2d: {  	[sflag:s23] =	ssyncadd.s32 $0xFFFFF800  }
0x2e: {  	[spmem:s2] =	stream.indirect.scatter.add.f32 [tilespmem:s19], [sflag:$0x3], $0x40, s4, s19, $0xb8;
	[tilespmem:$0xEBD0] =	vst v63  }
0x2f: {  	p1 =	sne.s32 s26, $0x1;
	_ =	swait.ge [sflag:s17], $0x2000  }
.Ltmp1:
0x30: {  	[sflag:s17] =	ssyncset.done $0x0;
	(pc) =	sbr.rel @!p1 .LBB2_4-.Ltmp1, $4  }
0x31: {  	s30 =	sadd.s32 $0xFFFFFFFF, s26;
	s26 =	sadd.s32 $0x2000, s15;
	[sflag:s17] =	ssyncadd.s32 $0xFFFFE000  }
0x32: {  	[spmem:s3] =	stream.indirect.scatter.add.f32 [tilespmem:s20], [sflag:$0x3], $0x10, s4, s19, $0xb8;
	[tilespmem:$0xEBD0] =	vst v63  }
0x33: {  	p0 =	por $0x1, $0x1;
	s29 =	sadd.s32 $0x1000, s13;
	_ =	swait.ge [sflag:s17], $0x800  }
0x34: {  	s31 =	sshrl.u32 s29, $0x3;
	s28 =	smov.u32 s14;
	[sflag:s17] =	ssyncset.done $0x0  }
.LBB2_5:
0x35: {  	s31 =	sadd.s32 s5, s31;
	[sflag:s17] =	ssyncadd.s32 $0xFFFFF800;
	s28 =	sadd.s32 $0x8000, s28  }
0x36: {  	[tilespmem:s4], [sflag:$0x3] =	stream.linear.gather [hbm4b:s31+s4], $0x80, $0x38;
	[tilespmem:$0xEBD0] =	vst v63  }
0x37: {  	p1 =	sne.s32 s30, $0x1;
	s30 =	sadd.s32 $0xFFFFFFFF, s30;
	_ =	swait.ge [sflag:s17], $0x80  }
0x38: {  	s31 =	sand.u32 $0x1FFFFC00, s28;
	[sflag:s17] =	ssyncset.done $0x0  }
0x39: {  	s0 =	sand.u32 $0x1FFFFF00, s26;
	s31 =	sadd.s32 s6, s31;
	[sflag:s17] =	ssyncadd.s32 $0xFFFFFF80  }
0x3a: {  	[tilespmem:s19], [sflag:$0x1] =	stream.linear.gather [hbm4b:s31+s4], $0x2000, $0x38;
	[tilespmem:$0xEBD0] =	vst v63  }
0x3b: {  	s0 =	sadd.s32 s8, s0  }
0x3c: {  	[tilespmem:s20], [sflag:$0x2] =	stream.linear.gather [hbm4b:s0+s4], $0x800, $0x38;
	[tilespmem:$0xEBD0] =	vst v63  }
0x3d: {  	_ =	swait.ge [sflag:s21], $0x2000  }
0x3e: {  	[sflag:s21] =	ssyncset.done $0x0  }
0x3f: {  	[sflag:s21] =	ssyncadd.s32 $0xFFFFE000  }
0x40: {  	_ =	swait.ge [sflag:s23], $0x800  }
0x41: {  	[sflag:s23] =	ssyncset.done $0x0  }
0x42: {  	[sflag:s23] =	ssyncadd.s32 $0xFFFFF800  }
0x43: {  	[spmem:s2] =	stream.indirect.scatter.add.f32 [tilespmem:s19], [sflag:$0x3], $0x40, s4, s19, $0xb8;
	[tilespmem:$0xEBD0] =	vst v63  }
0x44: {  	_ =	swait.ge [sflag:s17], $0x2000  }
.Ltmp2:
0x45: {  	[sflag:s17] =	ssyncset.done $0x0;
	(pc) =	sbr.rel @p1 .LBB2_5-.Ltmp2, $4  }
0x46: {  	[sflag:s17] =	ssyncadd.s32 $0xFFFFE000  }
0x47: {  	[spmem:s3] =	stream.indirect.scatter.add.f32 [tilespmem:s20], [sflag:$0x3], $0x10, s4, s19, $0xb8;
	[tilespmem:$0xEBD0] =	vst v63  }
0x48: {  	s29 =	sadd.s32 $0x1000, s29;
	_ =	swait.ge [sflag:s17], $0x800  }
0x49: {  	s26 =	sadd.s32 $0x2000, s26;
	s31 =	sshrl.u32 s29, $0x3;
	[sflag:s17] =	ssyncset.done $0x0  }
.LBB2_6:
0x4a: {  	s0 =	sadd.s32 s5, s31;
	[sflag:s17] =	ssyncadd.s32 @p0 $0xFFFFF800  }
0x4b: {  	[tilespmem:s4], [sflag:$0x3] =	stream.linear.gather [hbm4b:s0+s4], $0x80, $0x38;
	[tilespmem:$0xEBD0] =	vst v63  }
0x4c: {  	s28 =	sadd.s32 @p0 $0x8000, s28;
	s0 =	smov.u32 s14  }
0x4d: {  	_ =	swait.ge [sflag:s17], $0x80;
	s0 =	smov.u32 @p0 s28  }
0x4e: {  	[sflag:s17] =	ssyncset.done $0x0;
	s0 =	sand.u32 $0x1FFFFC00, s0  }
0x4f: {  	s26 =	sand.u32 $0x1FFFFF00, s26;
	[sflag:s17] =	ssyncadd.s32 $0xFFFFFF80;
	s0 =	sadd.s32 s6, s0  }
0x50: {  	[tilespmem:s19], [sflag:$0x1] =	stream.linear.gather [hbm4b:s0+s4], $0x2000, $0x38;
	[tilespmem:$0xEBD0] =	vst v63  }
0x51: {  	s31 =	sadd.s32 s8, s26  }
0x52: {  	[tilespmem:s20], [sflag:$0x2] =	stream.linear.gather [hbm4b:s31+s4], $0x800, $0x38;
	[tilespmem:$0xEBD0] =	vst v63  }
0x53: {  	_ =	swait.ge [sflag:s21], $0x2000  }
0x54: {  	[sflag:s21] =	ssyncset.done $0x0  }
0x55: {  	[sflag:s21] =	ssyncadd.s32 $0xFFFFE000  }
0x56: {  	_ =	swait.ge [sflag:s23], $0x800  }
0x57: {  	[sflag:s23] =	ssyncset.done $0x0  }
0x58: {  	[sflag:s23] =	ssyncadd.s32 $0xFFFFF800  }
0x59: {  	[spmem:s2] =	stream.indirect.scatter.add.f32 [tilespmem:s19], [sflag:$0x3], $0x40, s4, s19, $0xb8;
	[tilespmem:$0xEBD0] =	vst v63  }
0x5a: {  	_ =	swait.ge [sflag:s17], $0x2000  }
0x5b: {  	[sflag:s17] =	ssyncset.done $0x0  }
0x5c: {  	[sflag:s17] =	ssyncadd.s32 $0xFFFFE000  }
0x5d: {  	[spmem:s3] =	stream.indirect.scatter.add.f32 [tilespmem:s20], [sflag:$0x3], $0x10, s4, s19, $0xb8;
	[tilespmem:$0xEBD0] =	vst v63  }
0x5e: {  	_ =	swait.ge [sflag:s17], $0x800  }
0x5f: {  	[sflag:s17] =	ssyncset.done $0x0  }
0x60: {  	[sflag:s17] =	ssyncadd.s32 $0xFFFFF800  }
0x61: {  	[bflag:$0x0] =	sbarrier.arrive $0xFFFF  }
0x62: {  	[hbm:s22], [sflag:s10] =	dma.local [spmem:s16], $0x1388  }
0x63: {  	_ =	swait.ge [sflag:s17], $0x1388  }
0x64: {  	s25 =	sadd.s32 $0x1, s25;
	[sflag:s17] =	ssyncset.done $0x0  }
0x65: {  	p0 =	sne.s32 s25, s11;
	[sflag:s17] =	ssyncadd.s32 $0xFFFFEC78  }
0x66: {  	[hbm:s24], [sflag:s10] =	dma.local [spmem:s18], $0x4E2  }
.Ltmp3:
0x67: {  	_ = 	snop;
	(pc) =	sbr.rel @p0 .LBB2_1-.Ltmp3, $4  }
.Ltmp4:
0x68: {  	_ = 	snop;
	(pc) =	sbr.rel @!p0 .LBB2_7-.Ltmp4, $4  }
0x69: {  	_ =	swait.ge [sflag:s17], $0x4E2  }
0x6a: {  	[sflag:s17] =	ssyncset.done $0x0  }
0x6b: {  	[sflag:s17] =	ssyncadd.s32 $0xFFFFFB1E  }
0x6c: {  	_ = 	snop  }
.LBB2_2:
.Ltmp5:
0x6d: {  	(pc) =	sbr.rel .LBB2_6-.Ltmp5, $2  }
0x6e: {  	_ =	sdelay $0x2  }
0x6f: {  	s28 =	smov.u32 s14;
	s26 =	smov.u32 s15  }
.LBB2_4:
.Ltmp6:
0x70: {  	(pc) =	sbr.rel .LBB2_6-.Ltmp6, $2  }
0x71: {  	_ =	sdelay $0x2  }
0x72: {  	s28 =	smov.u32 s14  }
.LBB2_7:
0x73: {  	_ =	sfence.sel $0x180000  }
0x74: {  	[bflag:$0x0] =	sbarrier.arrive $0xFFFF  }
0x75: {  	_ =	strace $0x9000004A  }
0x76: {  	[bflag:$0x2] =	sbarrier.arrive $0xFFFF  }
0x77: {  	p0 =	sne.s32 s7, $0x0;
	s0 =	rddreg [dreg:$0x4]  }
0x78: {  	s0 =	sadd.s32 @!p0 $0x100000, s0  }
0x79: {  	[sflag:s0] =	ssyncadd.tile.s32 @!p0 $0x1;
	_ =	shalt  }
.Lfunc_end2:
_tile_overlayer_lowered:
.L_overlay_start_2:
0x7a: {  	(tag) =	ssettag $0x2  }
0x7b: {  	s0 =	rddreg [dreg:$0x0];
	s2 =	stileid.u32  }
0x7c: {  	s1 =	rddreg [dreg:$0x1];
	p0 =	sne.s32 s2, $0x0  }
0x7d: {  	s3 =	rddreg [dreg:$0x2];
	[bflag:$0x3] =	sbarrier.arrive $0xFFFF;
	s2 =	simm.s32 @!p0 $0x1C03  }
0x7e: {  	[timem:s3], [sflag:s2] =	dma.local @!p0 [hbm:s0], s1  }
0x7f: {  	s0 =	simm.s32 @!p0 $0x3  }
0x80: {  	_ =	swait.ge @!p0 [sflag:s0], s1  }
0x81: {  	s1 =	ssub.s32 @!p0 $0x0, s1;
	[sflag:s0] =	ssyncset.done @!p0 $0x0  }
0x82: {  	[sflag:s0] =	ssyncadd.s32 @!p0 s1  }
0x83: {  	[bflag:$0x3] =	sbarrier.arrive $0xFFFF  }
0x84: {  	_ =	shalt  }

// kernel: kernel.7.cloned.1.call-start
scs
__scs_entry_jumppad:
0x0: {  	(pc) =	sbr.rel $0x88, $3  }
0x1: {  	(tag) =	ssettag $0x0;
	lr =	simm.s32 $0x1  }
0x2: {  	[smem:$0x3F92] =	sst lr;
	_ =	strace $0xD0000000  }
0x3: {  	_ = 	snop  }
0x4: {  	_ = 	snop  }
0x5: {  	_ = 	snop  }
0x6: {  	_ = 	snop  }
0x7: {  	_ = 	snop  }
__scs_overlays_trampoline_lowered:
0x8: {  	[smem:$0x3FA1] =	sst s0  }
0x9: {  	[smem:$0x3FA2] =	sst s1  }
0xa: {  	[smem:$0x3FA3] =	sst s2  }
0xb: {  	[smem:$0x3FA4] =	sst s3  }
0xc: {  	[smem:$0x3FA5] =	sst s4  }
0xd: {  	[smem:$0x3FA6] =	sst s5  }
0xe: {  	[smem:$0x3FA7] =	sst s6  }
0xf: {  	[smem:$0x3FA8] =	sst s7  }
0x10: {  	[smem:$0x3FA9] =	sst s8  }
0x11: {  	[smem:$0x3FAA] =	sst s9;
	s0 =	simm.s32 @!p0 $0x0  }
0x12: {  	s1 =	sld [smem:$0x3F90];
	s0 =	simm.s32 @p0 $0x1  }
0x13: {  	[smem:$0x3FAB] =	sst s0;
	s0 =	simm.s32 @!p1 $0x0  }
0x14: {  	s2 =	sld [smem:$0x3F8F];
	s0 =	simm.s32 @p1 $0x1  }
0x15: {  	[smem:$0x3FAC] =	sst s0;
	s0 =	simm.s32 @!p2 $0x0  }
0x16: {  	s3 =	sld [smem:$0x3FDB];
	s0 =	simm.s32 @p2 $0x1  }
0x17: {  	s4 =	simm.s32 $0x1BF5;
	[smem:$0x3FAE] =	sst s0  }
0x18: {  	s0 =	sld [smem:$0x3F91];
	_ =	swait.ge [sflag:s4], $0x0  }
0x19: {  	s7 =	sld [smem:$0x3F92]  }
0x1a: {  	s8 =	sadd.s32 $0xFFFFE003, lr  }
0x1b: {  	s9 =	sadd.s32 $0xFFFFFEF7, lr;
	s5 =	simm.s32 $0xFFFFFFFF;
	p2 =	slt.u32 s8, $0xFFFFF086  }
0x1c: {  	p1 =	slt.u32 s9, $0xF7A;
	s5 =	simm.s32 @!p2 $0x0  }
0x1d: {  	s5 =	simm.s32 @p1 $0x1;
	p0 =	seq.s32 s7, s2  }
0x1e: {  	s7 =	smul.u32 @!p0 $0xF7A, s2;
	p2 =	seq.s32 @!p0 s5, $0x0  }
0x1f: {  	s9 =	smul.u32 $0xF7A, s1;
	s8 =	simm.s32 @!p0 $0x1BF5;
	p2 =	por !p2, p0  }
0x20: {  	[sflag:s8] =	ssyncset.s32 @!p0 $0xFFFFF086;
	s6 =	sadd.s32 @!p0 s3, s7;
	s7 =	simm.s32 @!p0 $0x108  }
0x21: {  	s3 =	sadd.s32 s3, s9;
	s6 =	sadd.s32 @!p0 $0x88, s6;
	s7 =	simm.s32 @p2 $0x1082  }
0x22: {  	[simem:s7], [sflag:s8] =	dma.local @!p0 [hbm:s6], $0xF7A  }
0x23: {  	s9 =	sor.u32 $0xD0000000, s2;
	s6 =	simm.s32 $0x108;
	_ =	swait.ge @!p0 [sflag:s8], $0x0  }
0x24: {  	s3 =	sadd.s32 $0x88, s3;
	s6 =	simm.s32 @!p1 $0x1082;
	[sflag:s4] =	ssyncset.s32 $0xFFFFF086  }
0x25: {  	[simem:s6], [sflag:s4] =	dma.local [hbm:s3], $0xF7A  }
0x26: {  	[smem:$0x3F92] =	sst s1;
	(tag) =	ssettag s2;
	_ =	strace s9  }
0x27: {  	s1 =	sld [smem:$0x3FA2]  }
0x28: {  	s2 =	sld [smem:$0x3FA3]  }
0x29: {  	s4 =	sld [smem:$0x3FA5]  }
0x2a: {  	p0 =	seq.s32 s5, $0x0;
	s5 =	sld [smem:$0x3FA6]  }
0x2b: {  	s6 =	sld [smem:$0x3FA7]  }
0x2c: {  	s7 =	sld [smem:$0x3FA8]  }
0x2d: {  	s3 =	simm.s32 $0x108;
	s8 =	sld [smem:$0x3FA9]  }
0x2e: {  	s3 =	simm.s32 @!p0 $0x1082;
	s9 =	sld [smem:$0x3FAA]  }
0x2f: {  	lr =	sadd.s32 s0, s3;
	s0 =	sld [smem:$0x3FA1]  }
0x30: {  	s3 =	sld [smem:$0x3FA4]  }
0x31: {  	[smem:$0x3FAD] =	sst s10  }
0x32: {  	s10 =	sld [smem:$0x3FAB];
	_ =	sdelay $0x3  }
0x33: {  	p0 =	seq.s32 s10, $0x1;
	s10 =	sld [smem:$0x3FAD];
	_ =	sdelay $0x3  }
0x34: {  	[smem:$0x3FAD] =	sst s10  }
0x35: {  	s10 =	sld [smem:$0x3FAC];
	_ =	sdelay $0x3  }
0x36: {  	p1 =	seq.s32 s10, $0x1;
	s10 =	sld [smem:$0x3FAD];
	_ =	sdelay $0x3  }
0x37: {  	[smem:$0x3FAD] =	sst s10  }
0x38: {  	s10 =	sld [smem:$0x3FAE]  }
0x39: {  	_ = 	snop;
	(pc) =	sbr.ind lr, $3  }
0x3a: {  	_ = 	snop  }
0x3b: {  	_ = 	snop  }
0x3c: {  	p2 =	seq.s32 s10, $0x1;
	s10 =	sld [smem:$0x3FAD]  }
0x3d: {  	_ =	shalt  }
0x3e: {  	_ =	shalt  }
0x3f: {  	_ =	shalt  }
0x40: {  	_ =	shalt  }
0x41: {  	_ =	shalt  }
0x42: {  	_ =	shalt  }
0x43: {  	_ =	shalt  }
0x44: {  	_ =	shalt  }
0x45: {  	_ =	shalt  }
0x46: {  	_ =	shalt  }
0x47: {  	_ =	shalt  }
0x48: {  	_ =	shalt  }
0x49: {  	_ =	shalt  }
0x4a: {  	_ =	shalt  }
0x4b: {  	_ =	shalt  }
0x4c: {  	_ =	shalt  }
0x4d: {  	_ =	shalt  }
0x4e: {  	_ =	shalt  }
0x4f: {  	_ =	shalt  }
0x50: {  	_ =	shalt  }
0x51: {  	_ =	shalt  }
0x52: {  	_ =	shalt  }
0x53: {  	_ =	shalt  }
0x54: {  	_ =	shalt  }
0x55: {  	_ =	shalt  }
0x56: {  	_ =	shalt  }
0x57: {  	_ =	shalt  }
0x58: {  	_ =	shalt  }
0x59: {  	_ =	shalt  }
0x5a: {  	_ =	shalt  }
0x5b: {  	_ =	shalt  }
0x5c: {  	_ =	shalt  }
0x5d: {  	_ =	shalt  }
0x5e: {  	_ =	shalt  }
0x5f: {  	_ =	shalt  }
0x60: {  	_ =	shalt  }
0x61: {  	_ =	shalt  }
0x62: {  	_ =	shalt  }
0x63: {  	_ =	shalt  }
0x64: {  	_ =	shalt  }
0x65: {  	_ =	shalt  }
0x66: {  	_ =	shalt  }
0x67: {  	_ =	shalt  }
0x68: {  	_ =	shalt  }
0x69: {  	_ =	shalt  }
0x6a: {  	_ =	shalt  }
0x6b: {  	_ =	shalt  }
0x6c: {  	_ =	shalt  }
0x6d: {  	_ =	shalt  }
0x6e: {  	_ =	shalt  }
0x6f: {  	_ =	shalt  }
0x70: {  	_ =	shalt  }
0x71: {  	_ =	shalt  }
0x72: {  	_ =	shalt  }
0x73: {  	_ =	shalt  }
0x74: {  	_ =	shalt  }
0x75: {  	_ =	shalt  }
0x76: {  	_ =	shalt  }
0x77: {  	_ =	shalt  }
0x78: {  	_ =	shalt  }
0x79: {  	_ =	shalt  }
0x7a: {  	_ =	shalt  }
0x7b: {  	_ =	shalt  }
0x7c: {  	_ =	shalt  }
0x7d: {  	_ =	shalt  }
0x7e: {  	_ =	shalt  }
0x7f: {  	_ =	shalt  }
0x80: {  	_ =	shalt  }
0x81: {  	_ =	shalt  }
0x82: {  	_ =	shalt  }
0x83: {  	_ =	shalt  }
0x84: {  	_ =	shalt  }
0x85: {  	_ =	shalt  }
0x86: {  	_ =	shalt  }
0x87: {  	_ =	shalt  }
.Lfunc_end0:
.L_simem_size_0:
called_computation_lowered:
.L_overlay_start_0:
0x88: {  	s2 =	sld [smem:$0x3FD9]  }
0x89: {  	s3 =	sld [smem:$0x3FFE];
	_ =	sdelay $0x1  }
0x8a: {  	s1 =	srdreg.scid  }
0x8b: {  	s0 =	sand.u32 $0x1, s1  }
0x8c: {  	s16 =	sshll.u32 s0, $0xA;
	s2 =	sadd.s32 s3, s2  }
0x8d: {  	s2 =	sadd.s32 s2, s16  }
0x8e: {  	[smem:$0x3FB9] =	sst s2  }
0x8f: {  	_ = 	snop  }
0x90: {  	(tm) =	ssettm $0x1  }
0x91: {  	s17 =	sld [smem:$0x3FFB];
	_ =	sdelay $0x3  }
0x92: {  	_ =	strace s17  }
0x93: {  	s2 =	sld [smem:$0x3FFC];
	_ =	sdelay $0x3  }
0x94: {  	_ =	strace s2  }
0x95: {  	s2 =	sld [smem:$0x3FFD];
	_ =	sdelay $0x3  }
0x96: {  	_ =	strace s2  }
0x97: {  	_ =	strace $0x8FFFFFFF  }
0x98: {  	s18 =	sld [smem:$0x3FDB];
	_ =	sdelay $0x1  }
0x99: {  	s19 =	simm.s32 $_scs_section_size  }
0x9a: {  	s4 =	simm.s32 $_size__tile_overlayer_lowered;
	s5 =	simm.s32 $_tile_overlayer_lowered  }
0x9b: {  	s22 =	simm.s32 $0x1BFF;
	s21 =	sshll.u32 s5, $0x1;
	s2 =	sadd.s32 s19, s18  }
0x9c: {  	s6 =	simm.s32 $0x0;
	s20 =	sshll.u32 s4, $0x1;
	s4 =	sadd.s32 s21, s2  }
0x9d: {  	[timem:s6], [sflag:s22] =	dma.local [hbm:s4], s20  }
0x9e: {  	_ =	swait.ge [sflag:s22], s20  }
0x9f: {  	s3 =	ssub.s32 $0x0, s20;
	[sflag:s22] =	ssyncset.done $0x0  }
0xa0: {  	[sflag:s22] =	ssyncadd.s32 s3;
	_ =	sdelay $0x1  }
0xa1: {  	s23 =	simm.s32 $0x1B8B  }
0xa2: {  	_ =	swait.ge [sflag:s23], $0x1  }
0xa3: {  	[sflag:s23] =	ssyncset.done $0x0  }
0xa4: {  	s25 =	simm.s32 $0x1B8E;
	s24 =	sld [smem:$0x3FFE];
	[sflag:s23] =	ssyncadd.s32 $0xFFFFFFFF  }
0xa5: {  	s26 =	simm.s32 $execute0_lowered;
	[smem:$0x3FD2] =	sst s25  }
0xa6: {  	s4 =	sshll.u32 s26, $0x1;
	_ =	strace $0x80000046;
	[dreg:$0x1] =	wrdreg $0xFFFFFFFF  }
0xa7: {  	s28 =	simm.s32 $_size_execute0_lowered;
	s2 =	sadd.s32 s2, s4;
	[dreg:$0x0] =	wrdreg $0x0  }
0xa8: {  	s4 =	sshll.u32 s28, $0x1;
	[dreg:$0x2] =	wrdreg s2  }
0xa9: {  	[dreg:$0x3] =	wrdreg s4  }
0xaa: {  	[dreg:$0x4] =	wrdreg $0xC0  }
0xab: {  	_ =	task [dreg:s6], $0x5FFFF  }
0xac: {  	[dreg:$0x1] =	wrdreg $0xFFFFFFFF  }
0xad: {  	[dreg:$0x0] =	wrdreg $0x60  }
0xae: {  	[dreg:$0x2] =	wrdreg s24  }
0xaf: {  	[dreg:$0x3] =	wrdreg $0x9  }
0xb0: {  	_ =	task.clear_ibuf [dreg:s6], $0x4FFFF;
	_ =	strace $0x90000046  }
0xb1: {  	s29 =	simm.s32 $0x9;
	_ =	strace $0x80000048  }
0xb2: {  	_ =	swait.ge [sflag:s29], $0x1  }
0xb3: {  	[sflag:s29] =	ssyncadd.s32 $0xFFFFFFFF  }
0xb4: {  	_ =	strace $0x90000048  }
0xb5: {  	_ =	sfence  }
0xb6: {  	s30 =	sld [smem:$0x0];
	_ =	sdelay $0x2  }
0xb7: {  	s31 =	sshll.u32 s1, $0xD;
	s1 =	sshrl.u32 s1, $0x2  }
0xb8: {  	s3 =	sand.u32 $0x4000, s31;
	s1 =	sadd.s32 s1, s30  }
0xb9: {  	s0 =	sor.u32 s3, s0;
	s1 =	sshll.u32 s1, $0x11  }
0xba: {  	s0 =	sor.u32 s1, s0  }
0xbb: {  	s0 =	sadd.s32 $0x8F2B, s0  }
0xbc: {  	[sflag:s0] =	ssyncadd.remote.s32 $0x1  }
0xbd: {  	_ =	sfence.sel $0xFFFF  }
0xbe: {  	[dreg:$0x0] =	wrdreg $0xFFFFFFFF;
	(pc) =	sbr.abs _section_cstart, $3  }
0xbf: {  	[dreg:$0x1] =	wrdreg $0xFFFFFFFF  }
0xc0: {  	_ =	task.clear_ibuf [dreg:s6], $0x2FFFF;
	_ =	strace $0x9FFFFFFF  }
0xc1: {  	(tm) =	ssettm $0x7FFFFFFF  }
tec
execute0_lowered:
.L_overlay_start_1:
0x0: {  	(tag) =	ssettag $0x1  }
0x1: {  	s9 =	rddreg [dreg:$0x0]  }
0x2: {  	s0 =	rddreg [dreg:$0x1]  }
0x3: {  	s1 =	simm.s32 $0x0;
	s8 =	srdreg.scid;
	s3 =	stileid.u32  }
0x4: {  	s14 =	simm.s32 $0x80;
	s15 =	simm.s32 $0x100;
	s16 =	simm.s32 $0x2100  }
0x5: {  	s17 =	simm.s32 $0x4100;
	s18 =	simm.s32 $0x4900;
	s19 =	simm.s32 $0x1  }
0x6: {  	s20 =	simm.s32 $0x2;
	s21 =	simm.s32 $0x3;
	s22 =	simm.s32 $0x4  }
0x7: {  	s23 =	simm.s32 $0x0;
	[smem:$0x7FF] =	sst s1;
	s2 =	sadd.s32 $0x10200, s9  }
0x8: {  	s4 =	sadd.s32 $0x6400, s9;
	s5 =	sadd.s32 $0x1A000, s9;
	s6 =	sadd.s32 $0x2DA00, s9  }
0x9: {  	s7 =	sadd.s32 $0x68600, s9;
	s10 =	sand.u32 $0x1, s8;
	s11 =	sshll.u32 s3, $0x1  }
0xa: {  	s8 =	sadd.s32 $0x6D600, s9;
	s9 =	sadd.s32 $0x2DE600, s9;
	s12 =	ssub.s32 $0x2, s10  }
0xb: {  	_ =	strace $0x80000047;
	s10 =	sor.u32 s10, s11;
	s31 =	sshrl.u32 s12, $0x1  }
0xc: {  	s13 =	ssub.s32 $0x9E3, s10;
	s10 =	sshll.u32 s10, $0x7;
	s12 =	ssub.s32 s12, s31  }
0xd: {  	s11 =	sshrl.u32 s13, $0x5;
	s13 =	simm.s32 $0x5;
	s12 =	smax.u32 s12, $0x1  }
.LBB2_1:
0xe: {  	s24 =	simm.s32 $0x0  }
.LBB2_2:
0xf: {  	s25 =	sshll.u32 s24, $0xC  }
0x10: {  	s25 =	sor.u32 s10, s25  }
0x11: {  	s26 =	sshrl.u32 s25, $0x3  }
0x12: {  	s29 =	simm.s32 $0x0;
	s28 =	sadd.s32 s2, s26  }
0x13: {  	[tilespmem:s29], [sflag:$0x5] =	stream.linear.gather [hbm4b:s28+s29], $0x80, $0x38;
	[tilespmem:$0x5100] =	vst v63  }
0x14: {  	_ =	swait.ge [sflag:s13], $0x80  }
0x15: {  	[sflag:s13] =	ssyncset.done $0x0  }
0x16: {  	s26 =	sadd.s32 s4, s26;
	[sflag:s13] =	ssyncadd.s32 $0xFFFFFF80  }
0x17: {  	[tilespmem:s14], [sflag:$0x5] =	stream.linear.gather [hbm4b:s26+s29], $0x80, $0x38;
	[tilespmem:$0x5100] =	vst v63  }
0x18: {  	_ =	swait.ge [sflag:s13], $0x80  }
0x19: {  	[sflag:s13] =	ssyncset.done $0x0  }
0x1a: {  	[sflag:s13] =	ssyncadd.s32 $0xFFFFFF80  }
0x1b: {  	[tilespmem:s15], [sflag:$0x1] =	stream.indirect.gather [hbm4b:s5+s14], $0x40, s29, s14, $0xb8;
	[tilespmem:$0x5100] =	vst v63  }
0x1c: {  	_ = 	snop  }
0x1d: {  	[tilespmem:s16], [sflag:$0x2] =	stream.indirect.gather [hbm4b:s6+s14], $0x40, s14, s14, $0xb8;
	[tilespmem:$0x5100] =	vst v63  }
0x1e: {  	_ = 	snop  }
0x1f: {  	[tilespmem:s17], [sflag:$0x3] =	stream.indirect.gather [hbm4b:s7+s14], $0x10, s29, s14, $0xb8;
	[tilespmem:$0x5100] =	vst v63  }
0x20: {  	_ = 	snop  }
0x21: {  	[tilespmem:s18], [sflag:$0x4] =	stream.indirect.gather [hbm4b:s7+s14], $0x10, s14, s14, $0xb8;
	[tilespmem:$0x5100] =	vst v63  }
0x22: {  	_ =	swait.ge [sflag:s19], $0x2000  }
0x23: {  	[sflag:s19] =	ssyncset.done $0x0  }
0x24: {  	[sflag:s19] =	ssyncadd.s32 $0xFFFFE000  }
0x25: {  	_ =	swait.ge [sflag:s20], $0x2000  }
0x26: {  	[sflag:s20] =	ssyncset.done $0x0  }
0x27: {  	[sflag:s20] =	ssyncadd.s32 $0xFFFFE000  }
0x28: {  	_ =	swait.ge [sflag:s21], $0x800  }
0x29: {  	[sflag:s21] =	ssyncset.done $0x0  }
0x2a: {  	[sflag:s21] =	ssyncadd.s32 $0xFFFFF800  }
0x2b: {  	_ =	swait.ge [sflag:s22], $0x800  }
0x2c: {  	[sflag:s22] =	ssyncset.done $0x0  }
0x2d: {  	s26 =	simm.s32 $0x120;
	[sflag:s22] =	ssyncadd.s32 $0xFFFFF800  }
0x2e: {  	s28 =	simm.s32 $0x2120;
	v0 =	vld [tilespmem:s26+$0xFFFFFFE0]  }
0x2f: {  	v1 =	vld [tilespmem:s28+$0xFFFFFFE0];
	_ =	sdelay $0x4  }
0x30: {  	v0 =	vadd.f32 v1, v0;
	_ =	sdelay $0x1  }
0x31: {  	[tilespmem:s26+$0xFFFFFFE0] =	vst v0;
	v0 =	vld [tilespmem:s26+$0xFFFFFFF0]  }
0x32: {  	v1 =	vld [tilespmem:s28+$0xFFFFFFF0];
	_ =	sdelay $0x4  }
0x33: {  	v0 =	vadd.f32 v1, v0;
	_ =	sdelay $0x1  }
0x34: {  	[tilespmem:s26+$0xFFFFFFF0] =	vst v0;
	v0 =	vld [tilespmem:s26+$0x0]  }
0x35: {  	v1 =	vld [tilespmem:s28+$0x0];
	_ =	sdelay $0x4  }
0x36: {  	v0 =	vadd.f32 v1, v0;
	_ =	sdelay $0x1  }
0x37: {  	[tilespmem:s26+$0x0] =	vst v0;
	v0 =	vld [tilespmem:s26+$0x10]  }
0x38: {  	v1 =	vld [tilespmem:s28+$0x10];
	_ =	sdelay $0x4  }
0x39: {  	v0 =	vadd.f32 v1, v0;
	_ =	sdelay $0x1  }
0x3a: {  	s30 =	simm.s32 $0x0;
	[tilespmem:s26+$0x10] =	vst v0  }
0x3b: {  	v0 =	vld [tilespmem:s30+$0x4900]  }
0x3c: {  	v1 =	vld [tilespmem:s30+$0x4100];
	_ =	sdelay $0x4  }
0x3d: {  	s29 =	simm.s32 $0x40;
	v0 =	vsub.f32 v1, v0  }
.LBB2_3:
0x3e: {  	p0 =	sne.s32 s29, $0x1FC0;
	s26 =	sadd.s32 $0x40, s26;
	s28 =	sadd.s32 $0x40, s28  }
0x3f: {  	[tilespmem:s30+$0x4100] =	vst v0;
	s30 =	smov.u32 s29;
	s29 =	sadd.s32 $0x40, s29  }
0x40: {  	v0 =	vld [tilespmem:s26+$0xFFFFFFE0]  }
0x41: {  	v1 =	vld [tilespmem:s28+$0xFFFFFFE0];
	_ =	sdelay $0x4  }
0x42: {  	v0 =	vadd.f32 v1, v0;
	_ =	sdelay $0x1  }
0x43: {  	[tilespmem:s26+$0xFFFFFFE0] =	vst v0;
	v0 =	vld [tilespmem:s26+$0xFFFFFFF0]  }
0x44: {  	v1 =	vld [tilespmem:s28+$0xFFFFFFF0];
	_ =	sdelay $0x4  }
0x45: {  	v0 =	vadd.f32 v1, v0;
	_ =	sdelay $0x1  }
0x46: {  	[tilespmem:s26+$0xFFFFFFF0] =	vst v0;
	v0 =	vld [tilespmem:s26+$0x0]  }
0x47: {  	v1 =	vld [tilespmem:s28+$0x0];
	_ =	sdelay $0x4  }
0x48: {  	v0 =	vadd.f32 v1, v0;
	_ =	sdelay $0x1  }
0x49: {  	[tilespmem:s26+$0x0] =	vst v0;
	v0 =	vld [tilespmem:s26+$0x10]  }
0x4a: {  	v1 =	vld [tilespmem:s28+$0x10];
	_ =	sdelay $0x4  }
0x4b: {  	v0 =	vadd.f32 v1, v0;
	_ =	sdelay $0x1  }
0x4c: {  	s30 =	sshra.s32 s30, $0x2;
	[tilespmem:s26+$0x10] =	vst v0  }
0x4d: {  	v0 =	vld [tilespmem:s30+$0x4900]  }
0x4e: {  	v1 =	vld [tilespmem:s30+$0x4100]  }
.Ltmp0:
0x4f: {  	(pc) =	sbr.rel @p0 .LBB2_3-.Ltmp0, $2  }
0x50: {  	_ =	sdelay $0x2  }
0x51: {  	v0 =	vsub.f32 v1, v0  }
0x52: {  	s26 =	sshll.u32 s25, $0x3  }
0x53: {  	s26 =	sand.u32 $0x1FFFFC00, s26  }
0x54: {  	[tilespmem:s30+$0x4100] =	vst v0;
	s26 =	sadd.s32 s8, s26  }
0x55: {  	[hbm4b:s26+s1] =	stream.linear.scatter [tilespmem:s15], [sflag:$0x5], $0x2000, $0x38;
	[tilespmem:$0x5100] =	vst v63  }
0x56: {  	s31 =	sshll.u32 s25, $0x1;
	s24 =	sadd.s32 $0x1, s24;
	_ =	swait.ge [sflag:s13], $0x2000  }
0x57: {  	s25 =	sand.u32 $0x1FFFFF00, s31;
	p0 =	sne.s32 s24, s11;
	[sflag:s13] =	ssyncset.done $0x0  }
.Ltmp1:
0x58: {  	s25 =	sadd.s32 s9, s25;
	[sflag:s13] =	ssyncadd.s32 $0xFFFFE000;
	(pc) =	sbr.rel @p0 .LBB2_2-.Ltmp1, $4  }
0x59: {  	[hbm4b:s25+s1] =	stream.linear.scatter [tilespmem:s17], [sflag:$0x5], $0x800, $0x38;
	[tilespmem:$0x5100] =	vst v63  }
0x5a: {  	_ =	swait.ge [sflag:s13], $0x800  }
0x5b: {  	[sflag:s13] =	ssyncset.done $0x0  }
0x5c: {  	[sflag:s13] =	ssyncadd.s32 $0xFFFFF800  }
0x5d: {  	s23 =	sadd.s32 $0x1, s23  }
0x5e: {  	p0 =	sne.s32 s23, s12  }
.Ltmp2:
0x5f: {  	_ = 	snop;
	(pc) =	sbr.rel @p0 .LBB2_1-.Ltmp2, $1  }
0x60: {  	_ =	sdelay $0x3  }
0x61: {  	_ =	sfence.sel $0x180000  }
0x62: {  	[bflag:$0x0] =	sbarrier.arrive $0xFFFF  }
0x63: {  	p0 =	sne.s32 s3, $0x0;
	_ =	strace $0x90000047  }
0x64: {  	s0 =	sadd.s32 @!p0 $0x100000, s0;
	[bflag:$0x2] =	sbarrier.arrive $0xFFFF  }
0x65: {  	[sflag:s0] =	ssyncadd.tile.s32 @!p0 $0x1;
	_ =	shalt  }
.Lfunc_end2:
_tile_overlayer_lowered:
.L_overlay_start_2:
0x66: {  	(tag) =	ssettag $0x2  }
0x67: {  	s0 =	rddreg [dreg:$0x0];
	s2 =	stileid.u32  }
0x68: {  	s1 =	rddreg [dreg:$0x1];
	p0 =	sne.s32 s2, $0x0  }
0x69: {  	s3 =	rddreg [dreg:$0x2];
	[bflag:$0x3] =	sbarrier.arrive $0xFFFF;
	s2 =	simm.s32 @!p0 $0x1C05  }
0x6a: {  	[timem:s3], [sflag:s2] =	dma.local @!p0 [hbm:s0], s1  }
0x6b: {  	s0 =	simm.s32 @!p0 $0x5  }
0x6c: {  	_ =	swait.ge @!p0 [sflag:s0], s1  }
0x6d: {  	s1 =	ssub.s32 @!p0 $0x0, s1;
	[sflag:s0] =	ssyncset.done @!p0 $0x0  }
0x6e: {  	[sflag:s0] =	ssyncadd.s32 @!p0 s1  }
0x6f: {  	[bflag:$0x3] =	sbarrier.arrive $0xFFFF  }
0x70: {  	_ =	shalt  }

</sc_bundles>
